<compile_context>
chip_gen: v7x
topology: tpu7x:2x2x1
jax: 0.10.2.dev20260603
libtpu: 0.0.44.dev20260713+nightly
codegen_flags: <defaults>
</compile_context>

<pallas_src>
import functools

import jax
import jax.numpy as jnp
from jax import lax
from jax.experimental import pallas as pl
from jax.experimental.pallas import tpu as pltpu
from jax.experimental.pallas import tpu_sc as plsc

_NUM_WORKERS = 32
_NBUF = 4
_G1 = 128
_TBLK = 1024


def _repack_table(token_table_t, V, D):
    n_in = (V + _TBLK - 1) // _TBLK
    grid = (n_in + 1) // 2
    out_rows = grid * _TBLK

    def body(lo_ref, hi_ref, o_ref):
        o_ref[:, 0:D] = lo_ref[...].T
        o_ref[:, D:2 * D] = hi_ref[...].T

    packed = pl.pallas_call(
        body,
        out_shape=jax.ShapeDtypeStruct((out_rows, 2 * D), jnp.float32),
        grid=(grid,),
        in_specs=[
            pl.BlockSpec((D, _TBLK), lambda b: (0, 2 * b)),
            pl.BlockSpec(
                (D, _TBLK),
                lambda b, m=n_in - 1: (0, jnp.minimum(2 * b + 1, m))),
        ],
        out_specs=pl.BlockSpec((_TBLK, 2 * D), lambda b: (b, 0)),
    )(token_table_t, token_table_t)
    return packed, out_rows


def _sc_gather(ids, tok_lin, B, L, D):
    n_rows = B * L
    rows_per_w = n_rows // _NUM_WORKERS
    seq_per_w = rows_per_w // L
    g2 = L - _G1

    mesh = plsc.VectorSubcoreMesh(core_axis_name="c", subcore_axis_name="s")

    scratch = [pltpu.VMEM((rows_per_w,), jnp.int32)]
    scratch += [pltpu.VMEM((L, D), jnp.float32) for _ in range(_NBUF)]
    scratch += [pltpu.SemaphoreType.DMA for _ in range(_NBUF)]

    @functools.partial(
        pl.kernel,
        out_type=jax.ShapeDtypeStruct((n_rows, D), jnp.float32),
        mesh=mesh,
        scratch_types=scratch,
        compiler_params=pltpu.CompilerParams(use_tc_tiling_on_sc=False),
    )
    def emb(ids_hbm, tok_hbm, out_hbm, idx_v, *rest):
        bufs = rest[:_NBUF]
        gsems = rest[_NBUF:]
        wid = lax.axis_index("s") * 2 + lax.axis_index("c")
        base = wid * rows_per_w
        pltpu.sync_copy(ids_hbm.at[pl.ds(base, rows_per_w)], idx_v)

        def start_seq(seq, k):
            r0 = seq * L
            h1 = pltpu.async_copy(
                tok_hbm.at[idx_v.at[pl.ds(r0, _G1)]],
                bufs[k].at[pl.ds(0, _G1)], gsems[k])
            h2 = pltpu.async_copy(
                tok_hbm.at[idx_v.at[pl.ds(r0 + _G1, g2)]],
                bufs[k].at[pl.ds(_G1, g2)], gsems[k])
            return h1, h2

        @pl.loop(0, seq_per_w, step=_NBUF)
        def _seq_body(seq):
            handles = [start_seq(seq + k, k) for k in range(_NBUF)]
            for k in range(_NBUF):
                for h in handles[k]:
                    h.wait()
                pltpu.sync_copy(
                    bufs[k], out_hbm.at[pl.ds(base + (seq + k) * L, L)])

    return emb(ids, tok_lin)


def kernel(inputs, token_table, pos_table):
    B, L = inputs.shape
    V, D = token_table.shape
    ids = inputs.astype(jnp.int32).reshape(B * L)
    tok_packed, out_rows = _repack_table(token_table.T, V, D)
    tok_lin = tok_packed.reshape(2 * out_rows, D)
    q, rem = ids // (2 * _TBLK), ids % (2 * _TBLK)
    ids_m = jnp.where(
        rem < _TBLK,
        2 * (_TBLK * q + rem),
        2 * (_TBLK * q + rem - _TBLK) + 1)
    gathered = _sc_gather(ids_m, tok_lin, B, L, D)
    return gathered.reshape(B, L, D) + pos_table[None, :, :]

# --- scband reference (transcript-rebuilt; emitter-appended) ---
"""Pipeline reference for scband-positional-embedding-19413252178647 (READ-ONLY COPY).

The authoritative reference and input builder live on the scoring server;
editing this copy changes nothing except your own understanding.
"""

import jax, jax.numpy as jnp
import numpy as np

VOCAB = 1000000
EMBD_DIM = 64
SEQ_LEN = 200
BATCH = 4096

def setup_inputs(seed: int = 0) -> dict:
    key = jax.random.key(seed)
    k1, k2, k3 = jax.random.split(key, 3)
    inputs = jax.random.randint(k1, (BATCH, SEQ_LEN), 0, VOCAB, dtype=jnp.int64 if jax.config.jax_enable_x64 else jnp.int32)
    token_table = jax.random.normal(k2, (VOCAB, EMBD_DIM), dtype=jnp.float32) * 0.02
    pos_table = jax.random.normal(k3, (SEQ_LEN, EMBD_DIM), dtype=jnp.float32) * 0.02
    return {"inputs": inputs, "token_table": token_table, "pos_table": pos_table}

def reference(inputs, token_table, pos_table):
    # Faithful translation of the standard Keras positional-embedding layer:
    #   embedded_tokens = token_emb(inputs)
    #   positions = range(seq_len); embedded_positions = pos_emb(positions)
    #   return embedded_tokens + embedded_positions
    length = inputs.shape[-1]
    positions = jnp.arange(length)
    embedded_tokens = jnp.take(token_table, inputs, axis=0)          # gather [B, L, D]
    embedded_positions = jnp.take(pos_table, positions, axis=0)      # gather [L, D]
    return embedded_tokens + embedded_positions[None, :, :]

if __name__ == "__main__":
    import jax
    _d = setup_inputs()
    print(jax.jit(kernel)(*tuple(_d.values())))

</pallas_src>

<mosaic_0001>
#map = affine_map<(d0, d1) -> (0)>
#map1 = affine_map<(d0, d1) -> (0, 0)>
module attributes {stable_mosaic.version = 14 : i64} {
  func.func @emb(%arg0: i32, %arg1: i32, %arg2: memref<819200xi32, #tpu.memory_space<hbm>>, %arg3: memref<1001472x64xf32, #tpu.memory_space<hbm>>, %arg4: memref<819200x64xf32, #tpu.memory_space<hbm>>, %arg5: memref<25600xi32, #tpu.memory_space<vmem>>, %arg6: memref<200x64xf32, #tpu.memory_space<vmem>>, %arg7: memref<200x64xf32, #tpu.memory_space<vmem>>, %arg8: memref<200x64xf32, #tpu.memory_space<vmem>>, %arg9: memref<200x64xf32, #tpu.memory_space<vmem>>, %arg10: memref<!tpu.dma_semaphore, #tpu.memory_space<semaphore_mem>>, %arg11: memref<!tpu.dma_semaphore, #tpu.memory_space<semaphore_mem>>, %arg12: memref<!tpu.dma_semaphore, #tpu.memory_space<semaphore_mem>>, %arg13: memref<!tpu.dma_semaphore, #tpu.memory_space<semaphore_mem>>) attributes {dimension_semantics = [#tpu.dimension_semantics<core_parallel>, #tpu.dimension_semantics<subcore_parallel>], iteration_bounds = array<i64: 2, 16>, scalar_prefetch = 0 : i64, scratch_operands = 9 : i64, tpu.core_type = #tpu.core_type<sc_vector_subcore>, window_params = [{transform_indices = #map}, {transform_indices = #map1}, {transform_indices = #map1}]} {
    %mul3A = arith.constant 2 : i32
    %mul3A_0 = arith.muli %arg1, %mul3A : i32
    %add3A = arith.addi %mul3A_0, %arg0 : i32
    %mul3A_1 = arith.constant 25600 : i32
    %mul3A_2 = arith.muli %add3A, %mul3A_1 : i32
    "tpu.region"() ({
      %run_scoped3A = tpu.sem_alloc : memref<!tpu.dma_semaphore, #tpu.memory_space<semaphore_mem>>
      %dma_start3A = tpu.memref_slice %arg2[%mul3A_2] : memref<819200xi32, #tpu.memory_space<hbm>> -> memref<25600xi32, #tpu.memory_space<hbm>>
      %dma_start3A_7 = tpu.memref_slice %arg2[%mul3A_2] : memref<819200xi32, #tpu.memory_space<hbm>> -> memref<25600xi32, #tpu.memory_space<hbm>>
      tpu.enqueue_dma source(%dma_start3A_7 : memref<25600xi32, #tpu.memory_space<hbm>>) target(%arg5 : memref<25600xi32, #tpu.memory_space<vmem>>) target_semaphore(%run_scoped3A : memref<!tpu.dma_semaphore, #tpu.memory_space<semaphore_mem>>)
      %dma_wait3A = tpu.memref_slice %arg2[%mul3A_2] : memref<819200xi32, #tpu.memory_space<hbm>> -> memref<25600xi32, #tpu.memory_space<hbm>>
      %dma_wait3A_8 = tpu.memref_slice %arg2[%mul3A_2] : memref<819200xi32, #tpu.memory_space<hbm>> -> memref<25600xi32, #tpu.memory_space<hbm>>
      tpu.wait_dma2 semaphore(%run_scoped3A : memref<!tpu.dma_semaphore, #tpu.memory_space<semaphore_mem>>) src(%dma_wait3A_8 : memref<25600xi32, #tpu.memory_space<hbm>>) dst(%arg5 : memref<25600xi32, #tpu.memory_space<vmem>>)
      tpu.yield
    }) : () -> ()
    %scan3A = arith.constant 0 : i32
    %scan3A_3 = arith.constant 32 : i32
    %scan3A_4 = arith.addi %scan3A, %scan3A_3 : i32
    %scan3A_5 = arith.constant 1 : i32
    scf.for %scan3A_7 = %scan3A to %scan3A_4 step %scan3A_5  : i32 {
      %mul3A_8 = arith.constant 4 : i32
      %mul3A_9 = arith.muli %scan3A_7, %mul3A_8 : i32
      %add3A_10 = arith.constant 0 : i32
      %add3A_11 = arith.addi %add3A_10, %mul3A_9 : i32
      %add3A_12 = arith.constant 0 : i32
      %add3A_13 = arith.addi %add3A_11, %add3A_12 : i32
      %mul3A_14 = arith.constant 200 : i32
      %mul3A_15 = arith.muli %add3A_13, %mul3A_14 : i32
      %dma_start3A = arith.constant 0 : i32
      %dma_start3A_16 = arith.constant 0 : i32
      %dma_start3A_17 = tpu.memref_slice %arg6[%dma_start3A, %dma_start3A_16] : memref<200x64xf32, #tpu.memory_space<vmem>> -> memref<128x64xf32, #tpu.memory_space<vmem>>
      %dma_start3A_18 = tpu.memref_slice %arg5[%mul3A_15] : memref<25600xi32, #tpu.memory_space<vmem>> -> memref<128xi32, #tpu.memory_space<vmem>>
      %dma_start3A_19 = arith.constant 0 : i32
      %dma_start3A_20 = arith.constant 0 : i32
      %dma_start3A_21 = tpu.memref_slice %arg3[%dma_start3A_19, %dma_start3A_20] : memref<1001472x64xf32, #tpu.memory_space<hbm>> -> memref<1001472x64xf32, #tpu.memory_space<hbm>>
      tpu.enqueue_indirect_dma source(%dma_start3A_21 : memref<1001472x64xf32, #tpu.memory_space<hbm>>) target(%dma_start3A_17 : memref<128x64xf32, #tpu.memory_space<vmem>>) offsets(%dma_start3A_18 : memref<128xi32, #tpu.memory_space<vmem>>) semaphore(%arg10 : memref<!tpu.dma_semaphore, #tpu.memory_space<semaphore_mem>>)
      %add3A_22 = arith.constant 128 : i32
      %add3A_23 = arith.addi %mul3A_15, %add3A_22 : i32
      %dma_start3A_24 = arith.constant 128 : i32
      %dma_start3A_25 = arith.constant 0 : i32
      %dma_start3A_26 = tpu.memref_slice %arg6[%dma_start3A_24, %dma_start3A_25] : memref<200x64xf32, #tpu.memory_space<vmem>> -> memref<72x64xf32, #tpu.memory_space<vmem>>
      %dma_start3A_27 = tpu.memref_slice %arg5[%add3A_23] : memref<25600xi32, #tpu.memory_space<vmem>> -> memref<72xi32, #tpu.memory_space<vmem>>
      %dma_start3A_28 = arith.constant 0 : i32
      %dma_start3A_29 = arith.constant 0 : i32
      %dma_start3A_30 = tpu.memref_slice %arg3[%dma_start3A_28, %dma_start3A_29] : memref<1001472x64xf32, #tpu.memory_space<hbm>> -> memref<1001472x64xf32, #tpu.memory_space<hbm>>
      tpu.enqueue_indirect_dma source(%dma_start3A_30 : memref<1001472x64xf32, #tpu.memory_space<hbm>>) target(%dma_start3A_26 : memref<72x64xf32, #tpu.memory_space<vmem>>) offsets(%dma_start3A_27 : memref<72xi32, #tpu.memory_space<vmem>>) semaphore(%arg10 : memref<!tpu.dma_semaphore, #tpu.memory_space<semaphore_mem>>)
      %add3A_31 = arith.constant 1 : i32
      %add3A_32 = arith.addi %add3A_11, %add3A_31 : i32
      %mul3A_33 = arith.constant 200 : i32
      %mul3A_34 = arith.muli %add3A_32, %mul3A_33 : i32
      %dma_start3A_35 = arith.constant 0 : i32
      %dma_start3A_36 = arith.constant 0 : i32
      %dma_start3A_37 = tpu.memref_slice %arg7[%dma_start3A_35, %dma_start3A_36] : memref<200x64xf32, #tpu.memory_space<vmem>> -> memref<128x64xf32, #tpu.memory_space<vmem>>
      %dma_start3A_38 = tpu.memref_slice %arg5[%mul3A_34] : memref<25600xi32, #tpu.memory_space<vmem>> -> memref<128xi32, #tpu.memory_space<vmem>>
      %dma_start3A_39 = arith.constant 0 : i32
      %dma_start3A_40 = arith.constant 0 : i32
      %dma_start3A_41 = tpu.memref_slice %arg3[%dma_start3A_39, %dma_start3A_40] : memref<1001472x64xf32, #tpu.memory_space<hbm>> -> memref<1001472x64xf32, #tpu.memory_space<hbm>>
      tpu.enqueue_indirect_dma source(%dma_start3A_41 : memref<1001472x64xf32, #tpu.memory_space<hbm>>) target(%dma_start3A_37 : memref<128x64xf32, #tpu.memory_space<vmem>>) offsets(%dma_start3A_38 : memref<128xi32, #tpu.memory_space<vmem>>) semaphore(%arg11 : memref<!tpu.dma_semaphore, #tpu.memory_space<semaphore_mem>>)
      %add3A_42 = arith.constant 128 : i32
      %add3A_43 = arith.addi %mul3A_34, %add3A_42 : i32
      %dma_start3A_44 = arith.constant 128 : i32
      %dma_start3A_45 = arith.constant 0 : i32
      %dma_start3A_46 = tpu.memref_slice %arg7[%dma_start3A_44, %dma_start3A_45] : memref<200x64xf32, #tpu.memory_space<vmem>> -> memref<72x64xf32, #tpu.memory_space<vmem>>
      %dma_start3A_47 = tpu.memref_slice %arg5[%add3A_43] : memref<25600xi32, #tpu.memory_space<vmem>> -> memref<72xi32, #tpu.memory_space<vmem>>
      %dma_start3A_48 = arith.constant 0 : i32
      %dma_start3A_49 = arith.constant 0 : i32
      %dma_start3A_50 = tpu.memref_slice %arg3[%dma_start3A_48, %dma_start3A_49] : memref<1001472x64xf32, #tpu.memory_space<hbm>> -> memref<1001472x64xf32, #tpu.memory_space<hbm>>
      tpu.enqueue_indirect_dma source(%dma_start3A_50 : memref<1001472x64xf32, #tpu.memory_space<hbm>>) target(%dma_start3A_46 : memref<72x64xf32, #tpu.memory_space<vmem>>) offsets(%dma_start3A_47 : memref<72xi32, #tpu.memory_space<vmem>>) semaphore(%arg11 : memref<!tpu.dma_semaphore, #tpu.memory_space<semaphore_mem>>)
      %add3A_51 = arith.constant 2 : i32
      %add3A_52 = arith.addi %add3A_11, %add3A_51 : i32
      %mul3A_53 = arith.constant 200 : i32
      %mul3A_54 = arith.muli %add3A_52, %mul3A_53 : i32
      %dma_start3A_55 = arith.constant 0 : i32
      %dma_start3A_56 = arith.constant 0 : i32
      %dma_start3A_57 = tpu.memref_slice %arg8[%dma_start3A_55, %dma_start3A_56] : memref<200x64xf32, #tpu.memory_space<vmem>> -> memref<128x64xf32, #tpu.memory_space<vmem>>
      %dma_start3A_58 = tpu.memref_slice %arg5[%mul3A_54] : memref<25600xi32, #tpu.memory_space<vmem>> -> memref<128xi32, #tpu.memory_space<vmem>>
      %dma_start3A_59 = arith.constant 0 : i32
      %dma_start3A_60 = arith.constant 0 : i32
      %dma_start3A_61 = tpu.memref_slice %arg3[%dma_start3A_59, %dma_start3A_60] : memref<1001472x64xf32, #tpu.memory_space<hbm>> -> memref<1001472x64xf32, #tpu.memory_space<hbm>>
      tpu.enqueue_indirect_dma source(%dma_start3A_61 : memref<1001472x64xf32, #tpu.memory_space<hbm>>) target(%dma_start3A_57 : memref<128x64xf32, #tpu.memory_space<vmem>>) offsets(%dma_start3A_58 : memref<128xi32, #tpu.memory_space<vmem>>) semaphore(%arg12 : memref<!tpu.dma_semaphore, #tpu.memory_space<semaphore_mem>>)
      %add3A_62 = arith.constant 128 : i32
      %add3A_63 = arith.addi %mul3A_54, %add3A_62 : i32
      %dma_start3A_64 = arith.constant 128 : i32
      %dma_start3A_65 = arith.constant 0 : i32
      %dma_start3A_66 = tpu.memref_slice %arg8[%dma_start3A_64, %dma_start3A_65] : memref<200x64xf32, #tpu.memory_space<vmem>> -> memref<72x64xf32, #tpu.memory_space<vmem>>
      %dma_start3A_67 = tpu.memref_slice %arg5[%add3A_63] : memref<25600xi32, #tpu.memory_space<vmem>> -> memref<72xi32, #tpu.memory_space<vmem>>
      %dma_start3A_68 = arith.constant 0 : i32
      %dma_start3A_69 = arith.constant 0 : i32
      %dma_start3A_70 = tpu.memref_slice %arg3[%dma_start3A_68, %dma_start3A_69] : memref<1001472x64xf32, #tpu.memory_space<hbm>> -> memref<1001472x64xf32, #tpu.memory_space<hbm>>
      tpu.enqueue_indirect_dma source(%dma_start3A_70 : memref<1001472x64xf32, #tpu.memory_space<hbm>>) target(%dma_start3A_66 : memref<72x64xf32, #tpu.memory_space<vmem>>) offsets(%dma_start3A_67 : memref<72xi32, #tpu.memory_space<vmem>>) semaphore(%arg12 : memref<!tpu.dma_semaphore, #tpu.memory_space<semaphore_mem>>)
      %add3A_71 = arith.constant 3 : i32
      %add3A_72 = arith.addi %add3A_11, %add3A_71 : i32
      %mul3A_73 = arith.constant 200 : i32
      %mul3A_74 = arith.muli %add3A_72, %mul3A_73 : i32
      %dma_start3A_75 = arith.constant 0 : i32
      %dma_start3A_76 = arith.constant 0 : i32
      %dma_start3A_77 = tpu.memref_slice %arg9[%dma_start3A_75, %dma_start3A_76] : memref<200x64xf32, #tpu.memory_space<vmem>> -> memref<128x64xf32, #tpu.memory_space<vmem>>
      %dma_start3A_78 = tpu.memref_slice %arg5[%mul3A_74] : memref<25600xi32, #tpu.memory_space<vmem>> -> memref<128xi32, #tpu.memory_space<vmem>>
      %dma_start3A_79 = arith.constant 0 : i32
      %dma_start3A_80 = arith.constant 0 : i32
      %dma_start3A_81 = tpu.memref_slice %arg3[%dma_start3A_79, %dma_start3A_80] : memref<1001472x64xf32, #tpu.memory_space<hbm>> -> memref<1001472x64xf32, #tpu.memory_space<hbm>>
      tpu.enqueue_indirect_dma source(%dma_start3A_81 : memref<1001472x64xf32, #tpu.memory_space<hbm>>) target(%dma_start3A_77 : memref<128x64xf32, #tpu.memory_space<vmem>>) offsets(%dma_start3A_78 : memref<128xi32, #tpu.memory_space<vmem>>) semaphore(%arg13 : memref<!tpu.dma_semaphore, #tpu.memory_space<semaphore_mem>>)
      %add3A_82 = arith.constant 128 : i32
      %add3A_83 = arith.addi %mul3A_74, %add3A_82 : i32
      %dma_start3A_84 = arith.constant 128 : i32
      %dma_start3A_85 = arith.constant 0 : i32
      %dma_start3A_86 = tpu.memref_slice %arg9[%dma_start3A_84, %dma_start3A_85] : memref<200x64xf32, #tpu.memory_space<vmem>> -> memref<72x64xf32, #tpu.memory_space<vmem>>
      %dma_start3A_87 = tpu.memref_slice %arg5[%add3A_83] : memref<25600xi32, #tpu.memory_space<vmem>> -> memref<72xi32, #tpu.memory_space<vmem>>
      %dma_start3A_88 = arith.constant 0 : i32
      %dma_start3A_89 = arith.constant 0 : i32
      %dma_start3A_90 = tpu.memref_slice %arg3[%dma_start3A_88, %dma_start3A_89] : memref<1001472x64xf32, #tpu.memory_space<hbm>> -> memref<1001472x64xf32, #tpu.memory_space<hbm>>
      tpu.enqueue_indirect_dma source(%dma_start3A_90 : memref<1001472x64xf32, #tpu.memory_space<hbm>>) target(%dma_start3A_86 : memref<72x64xf32, #tpu.memory_space<vmem>>) offsets(%dma_start3A_87 : memref<72xi32, #tpu.memory_space<vmem>>) semaphore(%arg13 : memref<!tpu.dma_semaphore, #tpu.memory_space<semaphore_mem>>)
      %dma_wait3A = arith.constant 0 : i32
      %dma_wait3A_91 = arith.constant 0 : i32
      %dma_wait3A_92 = tpu.memref_slice %arg6[%dma_wait3A, %dma_wait3A_91] : memref<200x64xf32, #tpu.memory_space<vmem>> -> memref<128x64xf32, #tpu.memory_space<vmem>>
      %dma_wait3A_93 = tpu.memref_slice %arg5[%mul3A_15] : memref<25600xi32, #tpu.memory_space<vmem>> -> memref<128xi32, #tpu.memory_space<vmem>>
      %dma_wait3A_94 = arith.constant 0 : i32
      %dma_wait3A_95 = arith.constant 0 : i32
      %dma_wait3A_96 = tpu.memref_slice %arg3[%dma_wait3A_94, %dma_wait3A_95] : memref<1001472x64xf32, #tpu.memory_space<hbm>> -> memref<1001472x64xf32, #tpu.memory_space<hbm>>
      tpu.wait_indirect_dma semaphore(%arg10 : memref<!tpu.dma_semaphore, #tpu.memory_space<semaphore_mem>>) src(%dma_wait3A_96 : memref<1001472x64xf32, #tpu.memory_space<hbm>>) dst(%dma_wait3A_92 : memref<128x64xf32, #tpu.memory_space<vmem>>)
      %dma_wait3A_97 = arith.constant 128 : i32
      %dma_wait3A_98 = arith.constant 0 : i32
      %dma_wait3A_99 = tpu.memref_slice %arg6[%dma_wait3A_97, %dma_wait3A_98] : memref<200x64xf32, #tpu.memory_space<vmem>> -> memref<72x64xf32, #tpu.memory_space<vmem>>
      %dma_wait3A_100 = tpu.memref_slice %arg5[%add3A_23] : memref<25600xi32, #tpu.memory_space<vmem>> -> memref<72xi32, #tpu.memory_space<vmem>>
      %dma_wait3A_101 = arith.constant 0 : i32
      %dma_wait3A_102 = arith.constant 0 : i32
      %dma_wait3A_103 = tpu.memref_slice %arg3[%dma_wait3A_101, %dma_wait3A_102] : memref<1001472x64xf32, #tpu.memory_space<hbm>> -> memref<1001472x64xf32, #tpu.memory_space<hbm>>
      tpu.wait_indirect_dma semaphore(%arg10 : memref<!tpu.dma_semaphore, #tpu.memory_space<semaphore_mem>>) src(%dma_wait3A_103 : memref<1001472x64xf32, #tpu.memory_space<hbm>>) dst(%dma_wait3A_99 : memref<72x64xf32, #tpu.memory_space<vmem>>)
      %add3A_104 = arith.constant 0 : i32
      %add3A_105 = arith.addi %add3A_11, %add3A_104 : i32
      %mul3A_106 = arith.constant 200 : i32
      %mul3A_107 = arith.muli %add3A_105, %mul3A_106 : i32
      %add3A_108 = arith.addi %mul3A_2, %mul3A_107 : i32
      "tpu.region"() ({
        %run_scoped3A = tpu.sem_alloc : memref<!tpu.dma_semaphore, #tpu.memory_space<semaphore_mem>>
        %dma_start3A_166 = arith.constant 0 : i32
        %dma_start3A_167 = tpu.memref_slice %arg4[%add3A_108, %dma_start3A_166] : memref<819200x64xf32, #tpu.memory_space<hbm>> -> memref<200x64xf32, #tpu.memory_space<hbm>>
        %dma_start3A_168 = arith.constant 0 : i32
        %dma_start3A_169 = tpu.memref_slice %arg4[%add3A_108, %dma_start3A_168] : memref<819200x64xf32, #tpu.memory_space<hbm>> -> memref<200x64xf32, #tpu.memory_space<hbm>>
        tpu.enqueue_dma source(%arg6 : memref<200x64xf32, #tpu.memory_space<vmem>>) target(%dma_start3A_169 : memref<200x64xf32, #tpu.memory_space<hbm>>) target_semaphore(%run_scoped3A : memref<!tpu.dma_semaphore, #tpu.memory_space<semaphore_mem>>)
        %dma_wait3A_170 = arith.constant 0 : i32
        %dma_wait3A_171 = tpu.memref_slice %arg4[%add3A_108, %dma_wait3A_170] : memref<819200x64xf32, #tpu.memory_space<hbm>> -> memref<200x64xf32, #tpu.memory_space<hbm>>
        %dma_wait3A_172 = arith.constant 0 : i32
        %dma_wait3A_173 = tpu.memref_slice %arg4[%add3A_108, %dma_wait3A_172] : memref<819200x64xf32, #tpu.memory_space<hbm>> -> memref<200x64xf32, #tpu.memory_space<hbm>>
        tpu.wait_dma2 semaphore(%run_scoped3A : memref<!tpu.dma_semaphore, #tpu.memory_space<semaphore_mem>>) src(%arg6 : memref<200x64xf32, #tpu.memory_space<vmem>>) dst(%dma_wait3A_173 : memref<200x64xf32, #tpu.memory_space<hbm>>)
        tpu.yield
      }) : () -> ()
      %dma_wait3A_109 = arith.constant 0 : i32
      %dma_wait3A_110 = arith.constant 0 : i32
      %dma_wait3A_111 = tpu.memref_slice %arg7[%dma_wait3A_109, %dma_wait3A_110] : memref<200x64xf32, #tpu.memory_space<vmem>> -> memref<128x64xf32, #tpu.memory_space<vmem>>
      %dma_wait3A_112 = tpu.memref_slice %arg5[%mul3A_34] : memref<25600xi32, #tpu.memory_space<vmem>> -> memref<128xi32, #tpu.memory_space<vmem>>
      %dma_wait3A_113 = arith.constant 0 : i32
      %dma_wait3A_114 = arith.constant 0 : i32
      %dma_wait3A_115 = tpu.memref_slice %arg3[%dma_wait3A_113, %dma_wait3A_114] : memref<1001472x64xf32, #tpu.memory_space<hbm>> -> memref<1001472x64xf32, #tpu.memory_space<hbm>>
      tpu.wait_indirect_dma semaphore(%arg11 : memref<!tpu.dma_semaphore, #tpu.memory_space<semaphore_mem>>) src(%dma_wait3A_115 : memref<1001472x64xf32, #tpu.memory_space<hbm>>) dst(%dma_wait3A_111 : memref<128x64xf32, #tpu.memory_space<vmem>>)
      %dma_wait3A_116 = arith.constant 128 : i32
      %dma_wait3A_117 = arith.constant 0 : i32
      %dma_wait3A_118 = tpu.memref_slice %arg7[%dma_wait3A_116, %dma_wait3A_117] : memref<200x64xf32, #tpu.memory_space<vmem>> -> memref<72x64xf32, #tpu.memory_space<vmem>>
      %dma_wait3A_119 = tpu.memref_slice %arg5[%add3A_43] : memref<25600xi32, #tpu.memory_space<vmem>> -> memref<72xi32, #tpu.memory_space<vmem>>
      %dma_wait3A_120 = arith.constant 0 : i32
      %dma_wait3A_121 = arith.constant 0 : i32
      %dma_wait3A_122 = tpu.memref_slice %arg3[%dma_wait3A_120, %dma_wait3A_121] : memref<1001472x64xf32, #tpu.memory_space<hbm>> -> memref<1001472x64xf32, #tpu.memory_space<hbm>>
      tpu.wait_indirect_dma semaphore(%arg11 : memref<!tpu.dma_semaphore, #tpu.memory_space<semaphore_mem>>) src(%dma_wait3A_122 : memref<1001472x64xf32, #tpu.memory_space<hbm>>) dst(%dma_wait3A_118 : memref<72x64xf32, #tpu.memory_space<vmem>>)
      %add3A_123 = arith.constant 1 : i32
      %add3A_124 = arith.addi %add3A_11, %add3A_123 : i32
      %mul3A_125 = arith.constant 200 : i32
      %mul3A_126 = arith.muli %add3A_124, %mul3A_125 : i32
      %add3A_127 = arith.addi %mul3A_2, %mul3A_126 : i32
      "tpu.region"() ({
        %run_scoped3A = tpu.sem_alloc : memref<!tpu.dma_semaphore, #tpu.memory_space<semaphore_mem>>
        %dma_start3A_166 = arith.constant 0 : i32
        %dma_start3A_167 = tpu.memref_slice %arg4[%add3A_127, %dma_start3A_166] : memref<819200x64xf32, #tpu.memory_space<hbm>> -> memref<200x64xf32, #tpu.memory_space<hbm>>
        %dma_start3A_168 = arith.constant 0 : i32
        %dma_start3A_169 = tpu.memref_slice %arg4[%add3A_127, %dma_start3A_168] : memref<819200x64xf32, #tpu.memory_space<hbm>> -> memref<200x64xf32, #tpu.memory_space<hbm>>
        tpu.enqueue_dma source(%arg7 : memref<200x64xf32, #tpu.memory_space<vmem>>) target(%dma_start3A_169 : memref<200x64xf32, #tpu.memory_space<hbm>>) target_semaphore(%run_scoped3A : memref<!tpu.dma_semaphore, #tpu.memory_space<semaphore_mem>>)
        %dma_wait3A_170 = arith.constant 0 : i32
        %dma_wait3A_171 = tpu.memref_slice %arg4[%add3A_127, %dma_wait3A_170] : memref<819200x64xf32, #tpu.memory_space<hbm>> -> memref<200x64xf32, #tpu.memory_space<hbm>>
        %dma_wait3A_172 = arith.constant 0 : i32
        %dma_wait3A_173 = tpu.memref_slice %arg4[%add3A_127, %dma_wait3A_172] : memref<819200x64xf32, #tpu.memory_space<hbm>> -> memref<200x64xf32, #tpu.memory_space<hbm>>
        tpu.wait_dma2 semaphore(%run_scoped3A : memref<!tpu.dma_semaphore, #tpu.memory_space<semaphore_mem>>) src(%arg7 : memref<200x64xf32, #tpu.memory_space<vmem>>) dst(%dma_wait3A_173 : memref<200x64xf32, #tpu.memory_space<hbm>>)
        tpu.yield
      }) : () -> ()
      %dma_wait3A_128 = arith.constant 0 : i32
      %dma_wait3A_129 = arith.constant 0 : i32
      %dma_wait3A_130 = tpu.memref_slice %arg8[%dma_wait3A_128, %dma_wait3A_129] : memref<200x64xf32, #tpu.memory_space<vmem>> -> memref<128x64xf32, #tpu.memory_space<vmem>>
      %dma_wait3A_131 = tpu.memref_slice %arg5[%mul3A_54] : memref<25600xi32, #tpu.memory_space<vmem>> -> memref<128xi32, #tpu.memory_space<vmem>>
      %dma_wait3A_132 = arith.constant 0 : i32
      %dma_wait3A_133 = arith.constant 0 : i32
      %dma_wait3A_134 = tpu.memref_slice %arg3[%dma_wait3A_132, %dma_wait3A_133] : memref<1001472x64xf32, #tpu.memory_space<hbm>> -> memref<1001472x64xf32, #tpu.memory_space<hbm>>
      tpu.wait_indirect_dma semaphore(%arg12 : memref<!tpu.dma_semaphore, #tpu.memory_space<semaphore_mem>>) src(%dma_wait3A_134 : memref<1001472x64xf32, #tpu.memory_space<hbm>>) dst(%dma_wait3A_130 : memref<128x64xf32, #tpu.memory_space<vmem>>)
      %dma_wait3A_135 = arith.constant 128 : i32
      %dma_wait3A_136 = arith.constant 0 : i32
      %dma_wait3A_137 = tpu.memref_slice %arg8[%dma_wait3A_135, %dma_wait3A_136] : memref<200x64xf32, #tpu.memory_space<vmem>> -> memref<72x64xf32, #tpu.memory_space<vmem>>
      %dma_wait3A_138 = tpu.memref_slice %arg5[%add3A_63] : memref<25600xi32, #tpu.memory_space<vmem>> -> memref<72xi32, #tpu.memory_space<vmem>>
      %dma_wait3A_139 = arith.constant 0 : i32
      %dma_wait3A_140 = arith.constant 0 : i32
      %dma_wait3A_141 = tpu.memref_slice %arg3[%dma_wait3A_139, %dma_wait3A_140] : memref<1001472x64xf32, #tpu.memory_space<hbm>> -> memref<1001472x64xf32, #tpu.memory_space<hbm>>
      tpu.wait_indirect_dma semaphore(%arg12 : memref<!tpu.dma_semaphore, #tpu.memory_space<semaphore_mem>>) src(%dma_wait3A_141 : memref<1001472x64xf32, #tpu.memory_space<hbm>>) dst(%dma_wait3A_137 : memref<72x64xf32, #tpu.memory_space<vmem>>)
      %add3A_142 = arith.constant 2 : i32
      %add3A_143 = arith.addi %add3A_11, %add3A_142 : i32
      %mul3A_144 = arith.constant 200 : i32
      %mul3A_145 = arith.muli %add3A_143, %mul3A_144 : i32
      %add3A_146 = arith.addi %mul3A_2, %mul3A_145 : i32
      "tpu.region"() ({
        %run_scoped3A = tpu.sem_alloc : memref<!tpu.dma_semaphore, #tpu.memory_space<semaphore_mem>>
        %dma_start3A_166 = arith.constant 0 : i32
        %dma_start3A_167 = tpu.memref_slice %arg4[%add3A_146, %dma_start3A_166] : memref<819200x64xf32, #tpu.memory_space<hbm>> -> memref<200x64xf32, #tpu.memory_space<hbm>>
        %dma_start3A_168 = arith.constant 0 : i32
        %dma_start3A_169 = tpu.memref_slice %arg4[%add3A_146, %dma_start3A_168] : memref<819200x64xf32, #tpu.memory_space<hbm>> -> memref<200x64xf32, #tpu.memory_space<hbm>>
        tpu.enqueue_dma source(%arg8 : memref<200x64xf32, #tpu.memory_space<vmem>>) target(%dma_start3A_169 : memref<200x64xf32, #tpu.memory_space<hbm>>) target_semaphore(%run_scoped3A : memref<!tpu.dma_semaphore, #tpu.memory_space<semaphore_mem>>)
        %dma_wait3A_170 = arith.constant 0 : i32
        %dma_wait3A_171 = tpu.memref_slice %arg4[%add3A_146, %dma_wait3A_170] : memref<819200x64xf32, #tpu.memory_space<hbm>> -> memref<200x64xf32, #tpu.memory_space<hbm>>
        %dma_wait3A_172 = arith.constant 0 : i32
        %dma_wait3A_173 = tpu.memref_slice %arg4[%add3A_146, %dma_wait3A_172] : memref<819200x64xf32, #tpu.memory_space<hbm>> -> memref<200x64xf32, #tpu.memory_space<hbm>>
        tpu.wait_dma2 semaphore(%run_scoped3A : memref<!tpu.dma_semaphore, #tpu.memory_space<semaphore_mem>>) src(%arg8 : memref<200x64xf32, #tpu.memory_space<vmem>>) dst(%dma_wait3A_173 : memref<200x64xf32, #tpu.memory_space<hbm>>)
        tpu.yield
      }) : () -> ()
      %dma_wait3A_147 = arith.constant 0 : i32
      %dma_wait3A_148 = arith.constant 0 : i32
      %dma_wait3A_149 = tpu.memref_slice %arg9[%dma_wait3A_147, %dma_wait3A_148] : memref<200x64xf32, #tpu.memory_space<vmem>> -> memref<128x64xf32, #tpu.memory_space<vmem>>
      %dma_wait3A_150 = tpu.memref_slice %arg5[%mul3A_74] : memref<25600xi32, #tpu.memory_space<vmem>> -> memref<128xi32, #tpu.memory_space<vmem>>
      %dma_wait3A_151 = arith.constant 0 : i32
      %dma_wait3A_152 = arith.constant 0 : i32
      %dma_wait3A_153 = tpu.memref_slice %arg3[%dma_wait3A_151, %dma_wait3A_152] : memref<1001472x64xf32, #tpu.memory_space<hbm>> -> memref<1001472x64xf32, #tpu.memory_space<hbm>>
      tpu.wait_indirect_dma semaphore(%arg13 : memref<!tpu.dma_semaphore, #tpu.memory_space<semaphore_mem>>) src(%dma_wait3A_153 : memref<1001472x64xf32, #tpu.memory_space<hbm>>) dst(%dma_wait3A_149 : memref<128x64xf32, #tpu.memory_space<vmem>>)
      %dma_wait3A_154 = arith.constant 128 : i32
      %dma_wait3A_155 = arith.constant 0 : i32
      %dma_wait3A_156 = tpu.memref_slice %arg9[%dma_wait3A_154, %dma_wait3A_155] : memref<200x64xf32, #tpu.memory_space<vmem>> -> memref<72x64xf32, #tpu.memory_space<vmem>>
      %dma_wait3A_157 = tpu.memref_slice %arg5[%add3A_83] : memref<25600xi32, #tpu.memory_space<vmem>> -> memref<72xi32, #tpu.memory_space<vmem>>
      %dma_wait3A_158 = arith.constant 0 : i32
      %dma_wait3A_159 = arith.constant 0 : i32
      %dma_wait3A_160 = tpu.memref_slice %arg3[%dma_wait3A_158, %dma_wait3A_159] : memref<1001472x64xf32, #tpu.memory_space<hbm>> -> memref<1001472x64xf32, #tpu.memory_space<hbm>>
      tpu.wait_indirect_dma semaphore(%arg13 : memref<!tpu.dma_semaphore, #tpu.memory_space<semaphore_mem>>) src(%dma_wait3A_160 : memref<1001472x64xf32, #tpu.memory_space<hbm>>) dst(%dma_wait3A_156 : memref<72x64xf32, #tpu.memory_space<vmem>>)
      %add3A_161 = arith.constant 3 : i32
      %add3A_162 = arith.addi %add3A_11, %add3A_161 : i32
      %mul3A_163 = arith.constant 200 : i32
      %mul3A_164 = arith.muli %add3A_162, %mul3A_163 : i32
      %add3A_165 = arith.addi %mul3A_2, %mul3A_164 : i32
      "tpu.region"() ({
        %run_scoped3A = tpu.sem_alloc : memref<!tpu.dma_semaphore, #tpu.memory_space<semaphore_mem>>
        %dma_start3A_166 = arith.constant 0 : i32
        %dma_start3A_167 = tpu.memref_slice %arg4[%add3A_165, %dma_start3A_166] : memref<819200x64xf32, #tpu.memory_space<hbm>> -> memref<200x64xf32, #tpu.memory_space<hbm>>
        %dma_start3A_168 = arith.constant 0 : i32
        %dma_start3A_169 = tpu.memref_slice %arg4[%add3A_165, %dma_start3A_168] : memref<819200x64xf32, #tpu.memory_space<hbm>> -> memref<200x64xf32, #tpu.memory_space<hbm>>
        tpu.enqueue_dma source(%arg9 : memref<200x64xf32, #tpu.memory_space<vmem>>) target(%dma_start3A_169 : memref<200x64xf32, #tpu.memory_space<hbm>>) target_semaphore(%run_scoped3A : memref<!tpu.dma_semaphore, #tpu.memory_space<semaphore_mem>>)
        %dma_wait3A_170 = arith.constant 0 : i32
        %dma_wait3A_171 = tpu.memref_slice %arg4[%add3A_165, %dma_wait3A_170] : memref<819200x64xf32, #tpu.memory_space<hbm>> -> memref<200x64xf32, #tpu.memory_space<hbm>>
        %dma_wait3A_172 = arith.constant 0 : i32
        %dma_wait3A_173 = tpu.memref_slice %arg4[%add3A_165, %dma_wait3A_172] : memref<819200x64xf32, #tpu.memory_space<hbm>> -> memref<200x64xf32, #tpu.memory_space<hbm>>
        tpu.wait_dma2 semaphore(%run_scoped3A : memref<!tpu.dma_semaphore, #tpu.memory_space<semaphore_mem>>) src(%arg9 : memref<200x64xf32, #tpu.memory_space<vmem>>) dst(%dma_wait3A_173 : memref<200x64xf32, #tpu.memory_space<hbm>>)
        tpu.yield
      }) : () -> ()
    }
    %scan3A_6 = arith.constant 32 : i32
    return
  }
}

module attributes {stable_mosaic.version = 14 : i64} {
  func.func @body(%arg0: i32, %arg1: memref<64x1024xf32, #tpu.memory_space<vmem>>, %arg2: memref<64x1024xf32, #tpu.memory_space<vmem>>, %arg3: memref<1024x128xf32, #tpu.memory_space<vmem>>) attributes {dimension_semantics = [#tpu.dimension_semantics<arbitrary>], iteration_bounds = array<i64: 489>, scalar_prefetch = 0 : i64, scratch_operands = 0 : i64, tpu.core_type = #tpu.core_type<tc>, window_params = [{transform_indices = @transform_0, window_bounds = array<i64: 64, 1024>}, {transform_indices = @transform_1, window_bounds = array<i64: 64, 1024>}, {transform_indices = @transform_2, window_bounds = array<i64: 1024, 128>}]} {
    %get3A = arith.constant 0 : index
    %get3A_0 = arith.constant 0 : index
    %get3A_1 = vector.load %arg1[%get3A, %get3A_0] : memref<64x1024xf32, #tpu.memory_space<vmem>>, vector<64x1024xf32>
    %transpose3A = tpu.transpose %get3A_1, [1, 0] : vector<64x1024xf32> -> vector<1024x64xf32>
    %swap3A = arith.constant 0 : index
    %swap3A_2 = arith.constant 0 : index
    %swap3A_3 = vector.load %arg3[%swap3A, %swap3A_2] : memref<1024x128xf32, #tpu.memory_space<vmem>>, vector<1024x64xf32>
    tpu.vector_store %arg3[%swap3A, %swap3A_2], %transpose3A {strides = array<i32>} : memref<1024x128xf32, #tpu.memory_space<vmem>>, vector<1024x64xf32>,
    %get3A_4 = arith.constant 0 : index
    %get3A_5 = arith.constant 0 : index
    %get3A_6 = vector.load %arg2[%get3A_4, %get3A_5] : memref<64x1024xf32, #tpu.memory_space<vmem>>, vector<64x1024xf32>
    %transpose3A_7 = tpu.transpose %get3A_6, [1, 0] : vector<64x1024xf32> -> vector<1024x64xf32>
    %swap3A_8 = arith.constant 0 : index
    %swap3A_9 = arith.constant 64 : index
    %swap3A_10 = vector.load %arg3[%swap3A_8, %swap3A_9] : memref<1024x128xf32, #tpu.memory_space<vmem>>, vector<1024x64xf32>
    tpu.vector_store %arg3[%swap3A_8, %swap3A_9], %transpose3A_7 {strides = array<i32>} : memref<1024x128xf32, #tpu.memory_space<vmem>>, vector<1024x64xf32>,
    return
  }
  func.func @transform_0(%arg0: i32) -> (i32, i32) {
    %mul3A = arith.constant 2 : i32
    %mul3A_0 = arith.muli %mul3A, %arg0 : i32
    %c0_i32 = arith.constant 0 : i32
    %c0_i32_1 = arith.constant 0 : i32
    return %c0_i32, %mul3A_0 : i32, i32
  }
  func.func @transform_1(%arg0: i32) -> (i32, i32) {
    %mul3A = arith.constant 2 : i32
    %mul3A_0 = arith.muli %mul3A, %arg0 : i32
    %add3A = arith.constant 1 : i32
    %add3A_1 = arith.addi %mul3A_0, %add3A : i32
    %min3A = arith.constant 976 : i32
    %min3A_2 = arith.minsi %add3A_1, %min3A : i32
    %c0_i32 = arith.constant 0 : i32
    %c0_i32_3 = arith.constant 0 : i32
    return %c0_i32, %min3A_2 : i32, i32
  }
  func.func @transform_2(%arg0: i32) -> (i32, i32) {
    %c0_i32 = arith.constant 0 : i32
    %c0_i32_0 = arith.constant 0 : i32
    return %arg0, %c0_i32 : i32, i32
  }
}

</mosaic_0001>

<sc_bundles>
// kernel: kernel.4.cloned.1.call-start
scs
__scs_entry_jumppad:
0x0: {  	(pc) =	sbr.rel $0x88, $3  }
0x1: {  	(tag) =	ssettag $0x0;
	lr =	simm.s32 $0x1  }
0x2: {  	[smem:$0x3F9E] =	sst lr;
	_ =	strace $0xD0000000  }
0x3: {  	_ = 	snop  }
0x4: {  	_ = 	snop  }
0x5: {  	_ = 	snop  }
0x6: {  	_ = 	snop  }
0x7: {  	_ = 	snop  }
__scs_overlays_trampoline_lowered:
0x8: {  	[smem:$0x3FAD] =	sst s0  }
0x9: {  	[smem:$0x3FAE] =	sst s1  }
0xa: {  	[smem:$0x3FAF] =	sst s2  }
0xb: {  	[smem:$0x3FB0] =	sst s3  }
0xc: {  	[smem:$0x3FB1] =	sst s4  }
0xd: {  	[smem:$0x3FB2] =	sst s5  }
0xe: {  	[smem:$0x3FB3] =	sst s6  }
0xf: {  	[smem:$0x3FB4] =	sst s7  }
0x10: {  	[smem:$0x3FB5] =	sst s8  }
0x11: {  	[smem:$0x3FB6] =	sst s9;
	s0 =	simm.s32 @!p0 $0x0  }
0x12: {  	s1 =	sld [smem:$0x3F9C];
	s0 =	simm.s32 @p0 $0x1  }
0x13: {  	[smem:$0x3FB7] =	sst s0;
	s0 =	simm.s32 @!p1 $0x0  }
0x14: {  	s2 =	sld [smem:$0x3F9B];
	s0 =	simm.s32 @p1 $0x1  }
0x15: {  	[smem:$0x3FB8] =	sst s0;
	s0 =	simm.s32 @!p2 $0x0  }
0x16: {  	s3 =	sld [smem:$0x3FDB];
	s0 =	simm.s32 @p2 $0x1  }
0x17: {  	s4 =	simm.s32 $0x1BF5;
	[smem:$0x3FBA] =	sst s0  }
0x18: {  	s0 =	sld [smem:$0x3F9D];
	_ =	swait.ge [sflag:s4], $0x0  }
0x19: {  	s7 =	sld [smem:$0x3F9E]  }
0x1a: {  	s8 =	sadd.s32 $0xFFFFE003, lr  }
0x1b: {  	s9 =	sadd.s32 $0xFFFFFEF7, lr;
	s5 =	simm.s32 $0xFFFFFFFF;
	p2 =	slt.u32 s8, $0xFFFFF086  }
0x1c: {  	p1 =	slt.u32 s9, $0xF7A;
	s5 =	simm.s32 @!p2 $0x0  }
0x1d: {  	s5 =	simm.s32 @p1 $0x1;
	p0 =	seq.s32 s7, s2  }
0x1e: {  	s7 =	smul.u32 @!p0 $0xF7A, s2;
	p2 =	seq.s32 @!p0 s5, $0x0  }
0x1f: {  	s9 =	smul.u32 $0xF7A, s1;
	s8 =	simm.s32 @!p0 $0x1BF5;
	p2 =	por !p2, p0  }
0x20: {  	[sflag:s8] =	ssyncset.s32 @!p0 $0xFFFFF086;
	s6 =	sadd.s32 @!p0 s3, s7;
	s7 =	simm.s32 @!p0 $0x108  }
0x21: {  	s3 =	sadd.s32 s3, s9;
	s6 =	sadd.s32 @!p0 $0x88, s6;
	s7 =	simm.s32 @p2 $0x1082  }
0x22: {  	[simem:s7], [sflag:s8] =	dma.local @!p0 [hbm:s6], $0xF7A  }
0x23: {  	s9 =	sor.u32 $0xD0000000, s2;
	s6 =	simm.s32 $0x108;
	_ =	swait.ge @!p0 [sflag:s8], $0x0  }
0x24: {  	s3 =	sadd.s32 $0x88, s3;
	s6 =	simm.s32 @!p1 $0x1082;
	[sflag:s4] =	ssyncset.s32 $0xFFFFF086  }
0x25: {  	[simem:s6], [sflag:s4] =	dma.local [hbm:s3], $0xF7A  }
0x26: {  	[smem:$0x3F9E] =	sst s1;
	(tag) =	ssettag s2;
	_ =	strace s9  }
0x27: {  	s1 =	sld [smem:$0x3FAE]  }
0x28: {  	s2 =	sld [smem:$0x3FAF]  }
0x29: {  	s4 =	sld [smem:$0x3FB1]  }
0x2a: {  	p0 =	seq.s32 s5, $0x0;
	s5 =	sld [smem:$0x3FB2]  }
0x2b: {  	s6 =	sld [smem:$0x3FB3]  }
0x2c: {  	s7 =	sld [smem:$0x3FB4]  }
0x2d: {  	s3 =	simm.s32 $0x108;
	s8 =	sld [smem:$0x3FB5]  }
0x2e: {  	s3 =	simm.s32 @!p0 $0x1082;
	s9 =	sld [smem:$0x3FB6]  }
0x2f: {  	lr =	sadd.s32 s0, s3;
	s0 =	sld [smem:$0x3FAD]  }
0x30: {  	s3 =	sld [smem:$0x3FB0]  }
0x31: {  	[smem:$0x3FB9] =	sst s10  }
0x32: {  	s10 =	sld [smem:$0x3FB7];
	_ =	sdelay $0x3  }
0x33: {  	p0 =	seq.s32 s10, $0x1;
	s10 =	sld [smem:$0x3FB9];
	_ =	sdelay $0x3  }
0x34: {  	[smem:$0x3FB9] =	sst s10  }
0x35: {  	s10 =	sld [smem:$0x3FB8];
	_ =	sdelay $0x3  }
0x36: {  	p1 =	seq.s32 s10, $0x1;
	s10 =	sld [smem:$0x3FB9];
	_ =	sdelay $0x3  }
0x37: {  	[smem:$0x3FB9] =	sst s10  }
0x38: {  	s10 =	sld [smem:$0x3FBA]  }
0x39: {  	_ = 	snop;
	(pc) =	sbr.ind lr, $3  }
0x3a: {  	_ = 	snop  }
0x3b: {  	_ = 	snop  }
0x3c: {  	p2 =	seq.s32 s10, $0x1;
	s10 =	sld [smem:$0x3FB9]  }
0x3d: {  	_ =	shalt  }
0x3e: {  	_ =	shalt  }
0x3f: {  	_ =	shalt  }
0x40: {  	_ =	shalt  }
0x41: {  	_ =	shalt  }
0x42: {  	_ =	shalt  }
0x43: {  	_ =	shalt  }
0x44: {  	_ =	shalt  }
0x45: {  	_ =	shalt  }
0x46: {  	_ =	shalt  }
0x47: {  	_ =	shalt  }
0x48: {  	_ =	shalt  }
0x49: {  	_ =	shalt  }
0x4a: {  	_ =	shalt  }
0x4b: {  	_ =	shalt  }
0x4c: {  	_ =	shalt  }
0x4d: {  	_ =	shalt  }
0x4e: {  	_ =	shalt  }
0x4f: {  	_ =	shalt  }
0x50: {  	_ =	shalt  }
0x51: {  	_ =	shalt  }
0x52: {  	_ =	shalt  }
0x53: {  	_ =	shalt  }
0x54: {  	_ =	shalt  }
0x55: {  	_ =	shalt  }
0x56: {  	_ =	shalt  }
0x57: {  	_ =	shalt  }
0x58: {  	_ =	shalt  }
0x59: {  	_ =	shalt  }
0x5a: {  	_ =	shalt  }
0x5b: {  	_ =	shalt  }
0x5c: {  	_ =	shalt  }
0x5d: {  	_ =	shalt  }
0x5e: {  	_ =	shalt  }
0x5f: {  	_ =	shalt  }
0x60: {  	_ =	shalt  }
0x61: {  	_ =	shalt  }
0x62: {  	_ =	shalt  }
0x63: {  	_ =	shalt  }
0x64: {  	_ =	shalt  }
0x65: {  	_ =	shalt  }
0x66: {  	_ =	shalt  }
0x67: {  	_ =	shalt  }
0x68: {  	_ =	shalt  }
0x69: {  	_ =	shalt  }
0x6a: {  	_ =	shalt  }
0x6b: {  	_ =	shalt  }
0x6c: {  	_ =	shalt  }
0x6d: {  	_ =	shalt  }
0x6e: {  	_ =	shalt  }
0x6f: {  	_ =	shalt  }
0x70: {  	_ =	shalt  }
0x71: {  	_ =	shalt  }
0x72: {  	_ =	shalt  }
0x73: {  	_ =	shalt  }
0x74: {  	_ =	shalt  }
0x75: {  	_ =	shalt  }
0x76: {  	_ =	shalt  }
0x77: {  	_ =	shalt  }
0x78: {  	_ =	shalt  }
0x79: {  	_ =	shalt  }
0x7a: {  	_ =	shalt  }
0x7b: {  	_ =	shalt  }
0x7c: {  	_ =	shalt  }
0x7d: {  	_ =	shalt  }
0x7e: {  	_ =	shalt  }
0x7f: {  	_ =	shalt  }
0x80: {  	_ =	shalt  }
0x81: {  	_ =	shalt  }
0x82: {  	_ =	shalt  }
0x83: {  	_ =	shalt  }
0x84: {  	_ =	shalt  }
0x85: {  	_ =	shalt  }
0x86: {  	_ =	shalt  }
0x87: {  	_ =	shalt  }
.Lfunc_end0:
.L_simem_size_0:
called_computation.1_lowered:
.L_overlay_start_0:
0x88: {  	s2 =	sld [smem:$0x3FD9]  }
0x89: {  	s3 =	sld [smem:$0x3FFE];
	_ =	sdelay $0x1  }
0x8a: {  	s1 =	srdreg.scid  }
0x8b: {  	s0 =	sand.u32 $0x1, s1  }
0x8c: {  	s17 =	sshll.u32 s0, $0xA;
	s2 =	sadd.s32 s3, s2  }
0x8d: {  	s2 =	sadd.s32 s2, s17  }
0x8e: {  	[smem:$0x3FC5] =	sst s2  }
0x8f: {  	_ = 	snop  }
0x90: {  	s2 =	sld [smem:$0x3FD0];
	(tm) =	ssettm $0x1  }
0x91: {  	s18 =	sld [smem:$0x3FFB];
	_ =	sdelay $0x3  }
0x92: {  	_ =	strace s18  }
0x93: {  	s3 =	sld [smem:$0x3FFC];
	_ =	sdelay $0x3  }
0x94: {  	_ =	strace s3  }
0x95: {  	s3 =	sld [smem:$0x3FFD];
	_ =	sdelay $0x3  }
0x96: {  	_ =	strace s3  }
0x97: {  	_ =	strace $0x8FFFFFFF  }
0x98: {  	s19 =	sld [smem:$0x3FDB];
	_ =	sdelay $0x1  }
0x99: {  	s4 =	simm.s32 $_scs_section_size  }
0x9a: {  	s5 =	simm.s32 $_size__tile_overlayer_lowered;
	s6 =	simm.s32 $_tile_overlayer_lowered  }
0x9b: {  	s22 =	simm.s32 $0x1BFF;
	s21 =	sshll.u32 s6, $0x1;
	s3 =	sadd.s32 s4, s19  }
0x9c: {  	s7 =	simm.s32 $0x0;
	s20 =	sshll.u32 s5, $0x1;
	s5 =	sadd.s32 s21, s3  }
0x9d: {  	[timem:s7], [sflag:s22] =	dma.local [hbm:s5], s20  }
0x9e: {  	_ =	swait.ge [sflag:s22], s20  }
0x9f: {  	s4 =	ssub.s32 $0x0, s20;
	[sflag:s22] =	ssyncset.done $0x0  }
0xa0: {  	[sflag:s22] =	ssyncadd.s32 s4;
	_ =	sdelay $0x1  }
0xa1: {  	s23 =	simm.s32 $0x1B8B  }
0xa2: {  	_ =	swait.ge [sflag:s23], $0x1  }
0xa3: {  	[sflag:s23] =	ssyncset.done $0x0  }
0xa4: {  	s25 =	simm.s32 $0x1B8E;
	s24 =	sld [smem:$0x3FFE];
	[sflag:s23] =	ssyncadd.s32 $0xFFFFFFFF  }
0xa5: {  	s26 =	simm.s32 $execute0_lowered;
	[smem:$0x3FD2] =	sst s25  }
0xa6: {  	s5 =	sshll.u32 s26, $0x1;
	_ =	strace $0x80000046;
	[dreg:$0x1] =	wrdreg $0xFFFFFFFF  }
0xa7: {  	s28 =	simm.s32 $_size_execute0_lowered;
	s3 =	sadd.s32 s3, s5;
	[dreg:$0x0] =	wrdreg $0x0  }
0xa8: {  	s5 =	sshll.u32 s28, $0x1;
	[dreg:$0x2] =	wrdreg s3  }
0xa9: {  	[dreg:$0x3] =	wrdreg s5  }
0xaa: {  	[dreg:$0x4] =	wrdreg $0xC0  }
0xab: {  	_ =	task [dreg:s7], $0x5FFFF  }
0xac: {  	[dreg:$0x1] =	wrdreg $0xFFFFFFFF  }
0xad: {  	[dreg:$0x0] =	wrdreg $0x60  }
0xae: {  	[dreg:$0x2] =	wrdreg s24  }
0xaf: {  	[dreg:$0x3] =	wrdreg s2  }
0xb0: {  	[dreg:$0x4] =	wrdreg $0x9  }
0xb1: {  	_ =	task.clear_ibuf [dreg:s7], $0x5FFFF;
	_ =	strace $0x90000046  }
0xb2: {  	s29 =	simm.s32 $0x9;
	_ =	strace $0x80000048  }
0xb3: {  	_ =	swait.ge [sflag:s29], $0x1  }
0xb4: {  	[sflag:s29] =	ssyncadd.s32 $0xFFFFFFFF  }
0xb5: {  	_ =	strace $0x90000048  }
0xb6: {  	_ =	sfence  }
0xb7: {  	s30 =	sld [smem:$0x0];
	_ =	sdelay $0x2  }
0xb8: {  	s31 =	sshll.u32 s1, $0xD;
	s1 =	sshrl.u32 s1, $0x2  }
0xb9: {  	s3 =	sand.u32 $0x4000, s31;
	s1 =	sadd.s32 s1, s30  }
0xba: {  	s0 =	sor.u32 s3, s0;
	s1 =	sshll.u32 s1, $0x11  }
0xbb: {  	s0 =	sor.u32 s1, s0  }
0xbc: {  	s0 =	sadd.s32 $0x8F2B, s0  }
0xbd: {  	[sflag:s0] =	ssyncadd.remote.s32 $0x1  }
0xbe: {  	_ =	sfence.sel $0xFFFF  }
0xbf: {  	[dreg:$0x0] =	wrdreg $0xFFFFFFFF;
	(pc) =	sbr.abs _section_cstart, $3  }
0xc0: {  	[dreg:$0x1] =	wrdreg $0xFFFFFFFF  }
0xc1: {  	_ =	task.clear_ibuf [dreg:s7], $0x2FFFF;
	_ =	strace $0x9FFFFFFF  }
0xc2: {  	(tm) =	ssettm $0x7FFFFFFF  }
0xc3: {  	_ =	shalt  }
tec
execute0_lowered:
.L_overlay_start_1:
0x0: {  	(tag) =	ssettag $0x1  }
0x1: {  	s1 =	srdreg.scid;
	s3 =	rddreg [dreg:$0x0]  }
0x2: {  	s0 =	stileid.u32;
	s7 =	rddreg [dreg:$0x1];
	s2 =	simm.s32 $0x0  }
0x3: {  	s13 =	simm.s32 $0x8400;
	s12 =	simm.s32 $0x6400;
	s15 =	simm.s32 $0xB600  }
0x4: {  	s14 =	simm.s32 $0x9600;
	s16 =	simm.s32 $0xE800;
	s17 =	simm.s32 $0xFA00  }
0x5: {  	s18 =	simm.s32 $0x11A00;
	s19 =	simm.s32 $0x1;
	s20 =	simm.s32 $0x2  }
0x6: {  	s21 =	simm.s32 $0x3;
	s22 =	simm.s32 $0x4;
	s23 =	simm.s32 $0x0  }
0x7: {  	s5 =	sand.u32 $0x1, s1;
	s26 =	sshll.u32 s0, $0x1;
	s6 =	smul.u32 $0xC800, s0  }
0x8: {  	[smem:$0x7FF] =	sst s2;
	s29 =	smul.u32 $0x64000, s0;
	s1 =	sor.u32 s5, s26  }
0x9: {  	s8 =	smul.u32 $0x6400, s5;
	_ =	strace $0x80000047;
	s9 =	ssub.s32 $0x2, s5  }
0xa: {  	s11 =	smul.u32 $0x32000, s5;
	[dreg:$0x3] =	wrdreg s13;
	s13 =	simm.s32 $0x48  }
0xb: {  	[dreg:$0x4] =	wrdreg s15;
	s4 =	smul.u32 $0x6400, s1;
	s10 =	sshrl.u32 s9, $0x1  }
0xc: {  	s15 =	simm.s32 $0xC800;
	s6 =	sadd.s32 s8, s6;
	s28 =	ssub.s32 s9, s10  }
0xd: {  	s9 =	sadd.s32 s29, s7;
	s10 =	simm.s32 $0x5;
	s4 =	sshrl.u32 s4, $0x3  }
0xe: {  	s6 =	sshll.u32 s6, $0x3;
	s5 =	smax.u32 s28, $0x1;
	s9 =	sadd.s32 s11, s9  }
0xf: {  	s11 =	simm.s32 $0x80;
	s4 =	sadd.s32 s4, s3;
	s31 =	sadd.s32 s6, s7  }
0x10: {  	s3 =	sadd.s32 $0xC00, s3;
	s30 =	sadd.s32 $0x7A4C00, s4;
	s6 =	sadd.s32 $0x12C0, s31  }
0x11: {  	s7 =	sadd.s32 $0xC80, s31;
	s8 =	sadd.s32 $0x640, s31;
	[dreg:$0x5] =	wrdreg s30  }
.LBB2_1:
0x12: {  	s0 =	rddreg [dreg:$0x5]  }
0x13: {  	[tilespmem:s2], [sflag:$0x5] =	stream.linear.gather [hbm4b:s0+s2], $0x6400, $0x38;
	[tilespmem:$0x12C00] =	vst v63  }
0x14: {  	_ =	swait.ge [sflag:s10], $0x6400  }
0x15: {  	[sflag:s10] =	ssyncset.done $0x0  }
0x16: {  	s24 =	simm.s32 $0x0;
	[sflag:s10] =	ssyncadd.s32 $0xFFFF9C00  }
0x17: {  	[tilespmem:s12], [sflag:$0x1] =	stream.indirect.gather [hbm4b:s3+s11], $0x40, s24, s11, $0xb8;
	[tilespmem:$0x12C00] =	vst v63  }
0x18: {  	s1 =	simm.s32 $0x80;
	s25 =	rddreg [dreg:$0x3]  }
0x19: {  	[tilespmem:s25], [sflag:$0x1] =	stream.indirect.gather [hbm4b:s3+s13], $0x40, s1, s13, $0xb8;
	[tilespmem:$0x12C00] =	vst v63  }
0x1a: {  	s26 =	simm.s32 $0xC8  }
0x1b: {  	[tilespmem:s14], [sflag:$0x2] =	stream.indirect.gather [hbm4b:s3+s11], $0x40, s26, s11, $0xb8;
	[tilespmem:$0x12C00] =	vst v63  }
0x1c: {  	s0 =	simm.s32 $0x148;
	s4 =	rddreg [dreg:$0x4]  }
0x1d: {  	[tilespmem:s4], [sflag:$0x2] =	stream.indirect.gather [hbm4b:s3+s13], $0x40, s0, s13, $0xb8;
	[tilespmem:$0x12C00] =	vst v63  }
0x1e: {  	s1 =	simm.s32 $0x190  }
0x1f: {  	[tilespmem:s15], [sflag:$0x3] =	stream.indirect.gather [hbm4b:s3+s11], $0x40, s1, s11, $0xb8;
	[tilespmem:$0x12C00] =	vst v63  }
0x20: {  	s4 =	simm.s32 $0x210  }
0x21: {  	[tilespmem:s16], [sflag:$0x3] =	stream.indirect.gather [hbm4b:s3+s13], $0x40, s4, s13, $0xb8;
	[tilespmem:$0x12C00] =	vst v63  }
0x22: {  	s25 =	simm.s32 $0x258  }
0x23: {  	[tilespmem:s17], [sflag:$0x4] =	stream.indirect.gather [hbm4b:s3+s11], $0x40, s25, s11, $0xb8;
	[tilespmem:$0x12C00] =	vst v63  }
0x24: {  	s26 =	simm.s32 $0x2D8  }
0x25: {  	[tilespmem:s18], [sflag:$0x4] =	stream.indirect.gather [hbm4b:s3+s13], $0x40, s26, s13, $0xb8;
	[tilespmem:$0x12C00] =	vst v63  }
0x26: {  	_ =	swait.ge [sflag:s19], $0x2000  }
0x27: {  	[sflag:s19] =	ssyncset.done $0x0  }
0x28: {  	[sflag:s19] =	ssyncadd.s32 $0xFFFFE000  }
0x29: {  	_ =	swait.ge [sflag:s19], $0x1200  }
0x2a: {  	[sflag:s19] =	ssyncset.done $0x0  }
0x2b: {  	[sflag:s19] =	ssyncadd.s32 $0xFFFFEE00  }
0x2c: {  	[hbm4b:s9+s2] =	stream.linear.scatter [tilespmem:s12], [sflag:$0x5], $0x3200, $0x38;
	[tilespmem:$0x12C00] =	vst v63  }
0x2d: {  	_ =	swait.ge [sflag:s10], $0x3200  }
0x2e: {  	[sflag:s10] =	ssyncset.done $0x0  }
0x2f: {  	[sflag:s10] =	ssyncadd.s32 $0xFFFFCE00  }
0x30: {  	_ =	swait.ge [sflag:s20], $0x2000  }
0x31: {  	[sflag:s20] =	ssyncset.done $0x0  }
0x32: {  	[sflag:s20] =	ssyncadd.s32 $0xFFFFE000  }
0x33: {  	_ =	swait.ge [sflag:s20], $0x1200  }
0x34: {  	[sflag:s20] =	ssyncset.done $0x0  }
0x35: {  	[sflag:s20] =	ssyncadd.s32 $0xFFFFEE00  }
0x36: {  	[hbm4b:s8+s2] =	stream.linear.scatter [tilespmem:s14], [sflag:$0x5], $0x3200, $0x38;
	[tilespmem:$0x12C00] =	vst v63  }
0x37: {  	_ =	swait.ge [sflag:s10], $0x3200  }
0x38: {  	[sflag:s10] =	ssyncset.done $0x0  }
0x39: {  	[sflag:s10] =	ssyncadd.s32 $0xFFFFCE00  }
0x3a: {  	_ =	swait.ge [sflag:s21], $0x2000  }
0x3b: {  	[sflag:s21] =	ssyncset.done $0x0  }
0x3c: {  	[sflag:s21] =	ssyncadd.s32 $0xFFFFE000  }
0x3d: {  	_ =	swait.ge [sflag:s21], $0x1200  }
0x3e: {  	[sflag:s21] =	ssyncset.done $0x0  }
0x3f: {  	[sflag:s21] =	ssyncadd.s32 $0xFFFFEE00  }
0x40: {  	[hbm4b:s7+s2] =	stream.linear.scatter [tilespmem:s15], [sflag:$0x5], $0x3200, $0x38;
	[tilespmem:$0x12C00] =	vst v63  }
0x41: {  	_ =	swait.ge [sflag:s10], $0x3200  }
0x42: {  	[sflag:s10] =	ssyncset.done $0x0  }
0x43: {  	[sflag:s10] =	ssyncadd.s32 $0xFFFFCE00  }
0x44: {  	_ =	swait.ge [sflag:s22], $0x2000  }
0x45: {  	[sflag:s22] =	ssyncset.done $0x0  }
0x46: {  	[sflag:s22] =	ssyncadd.s32 $0xFFFFE000  }
0x47: {  	_ =	swait.ge [sflag:s22], $0x1200  }
0x48: {  	s29 =	simm.s32 $0xC80;
	[sflag:s22] =	ssyncset.done $0x0  }
0x49: {  	s30 =	simm.s32 $0x1900;
	s28 =	sadd.s32 $0x1900, s9;
	[sflag:s22] =	ssyncadd.s32 $0xFFFFEE00  }
0x4a: {  	[hbm4b:s6+s2] =	stream.linear.scatter [tilespmem:s17], [sflag:$0x5], $0x3200, $0x38;
	[tilespmem:$0x12C00] =	vst v63  }
0x4b: {  	s24 =	sadd.s32 $0x1900, s6;
	s25 =	sadd.s32 $0x1900, s7;
	_ =	swait.ge [sflag:s10], $0x3200  }
0x4c: {  	s26 =	sadd.s32 $0x1900, s8;
	s31 =	rddreg [dreg:$0x4];
	[sflag:s10] =	ssyncset.done $0x0  }
.LBB2_2:
0x4d: {  	s1 =	sshra.s32 s29, $0x2;
	[sflag:s10] =	ssyncadd.s32 $0xFFFFCE00  }
0x4e: {  	[tilespmem:s12], [sflag:$0x1] =	stream.indirect.gather [hbm4b:s3+s11], $0x40, s1, s11, $0xb8;
	[tilespmem:$0x12C00] =	vst v63  }
0x4f: {  	s0 =	rddreg [dreg:$0x3];
	s4 =	sadd.s32 $0x80, s1  }
0x50: {  	[tilespmem:s0], [sflag:$0x1] =	stream.indirect.gather [hbm4b:s3+s13], $0x40, s4, s13, $0xb8;
	[tilespmem:$0x12C00] =	vst v63  }
0x51: {  	s4 =	sadd.s32 $0xC8, s1  }
0x52: {  	[tilespmem:s14], [sflag:$0x2] =	stream.indirect.gather [hbm4b:s3+s11], $0x40, s4, s11, $0xb8;
	[tilespmem:$0x12C00] =	vst v63  }
0x53: {  	s4 =	sadd.s32 $0x148, s1  }
0x54: {  	[tilespmem:s31], [sflag:$0x2] =	stream.indirect.gather [hbm4b:s3+s13], $0x40, s4, s13, $0xb8;
	[tilespmem:$0x12C00] =	vst v63  }
0x55: {  	s4 =	sadd.s32 $0x190, s1  }
0x56: {  	[tilespmem:s15], [sflag:$0x3] =	stream.indirect.gather [hbm4b:s3+s11], $0x40, s4, s11, $0xb8;
	[tilespmem:$0x12C00] =	vst v63  }
0x57: {  	s4 =	sadd.s32 $0x210, s1  }
0x58: {  	[tilespmem:s16], [sflag:$0x3] =	stream.indirect.gather [hbm4b:s3+s13], $0x40, s4, s13, $0xb8;
	[tilespmem:$0x12C00] =	vst v63  }
0x59: {  	s4 =	sadd.s32 $0x258, s1  }
0x5a: {  	[tilespmem:s17], [sflag:$0x4] =	stream.indirect.gather [hbm4b:s3+s11], $0x40, s4, s11, $0xb8;
	[tilespmem:$0x12C00] =	vst v63  }
0x5b: {  	s4 =	sadd.s32 $0x2D8, s1  }
0x5c: {  	[tilespmem:s18], [sflag:$0x4] =	stream.indirect.gather [hbm4b:s3+s13], $0x40, s4, s13, $0xb8;
	[tilespmem:$0x12C00] =	vst v63  }
0x5d: {  	_ =	swait.ge [sflag:s19], $0x2000  }
0x5e: {  	[sflag:s19] =	ssyncset.done $0x0  }
0x5f: {  	[sflag:s19] =	ssyncadd.s32 $0xFFFFE000  }
0x60: {  	_ =	swait.ge [sflag:s19], $0x1200  }
0x61: {  	[sflag:s19] =	ssyncset.done $0x0  }
0x62: {  	[sflag:s19] =	ssyncadd.s32 $0xFFFFEE00  }
0x63: {  	[hbm4b:s28+s2] =	stream.linear.scatter [tilespmem:s12], [sflag:$0x5], $0x3200, $0x38;
	[tilespmem:$0x12C00] =	vst v63  }
0x64: {  	_ =	swait.ge [sflag:s10], $0x3200  }
0x65: {  	[sflag:s10] =	ssyncset.done $0x0  }
0x66: {  	[sflag:s10] =	ssyncadd.s32 $0xFFFFCE00  }
0x67: {  	_ =	swait.ge [sflag:s20], $0x2000  }
0x68: {  	[sflag:s20] =	ssyncset.done $0x0  }
0x69: {  	[sflag:s20] =	ssyncadd.s32 $0xFFFFE000  }
0x6a: {  	_ =	swait.ge [sflag:s20], $0x1200  }
0x6b: {  	[sflag:s20] =	ssyncset.done $0x0  }
0x6c: {  	[sflag:s20] =	ssyncadd.s32 $0xFFFFEE00  }
0x6d: {  	[hbm4b:s26+s2] =	stream.linear.scatter [tilespmem:s14], [sflag:$0x5], $0x3200, $0x38;
	[tilespmem:$0x12C00] =	vst v63  }
0x6e: {  	_ =	swait.ge [sflag:s10], $0x3200  }
0x6f: {  	[sflag:s10] =	ssyncset.done $0x0  }
0x70: {  	[sflag:s10] =	ssyncadd.s32 $0xFFFFCE00  }
0x71: {  	_ =	swait.ge [sflag:s21], $0x2000  }
0x72: {  	[sflag:s21] =	ssyncset.done $0x0  }
0x73: {  	[sflag:s21] =	ssyncadd.s32 $0xFFFFE000  }
0x74: {  	_ =	swait.ge [sflag:s21], $0x1200  }
0x75: {  	[sflag:s21] =	ssyncset.done $0x0  }
0x76: {  	[sflag:s21] =	ssyncadd.s32 $0xFFFFEE00  }
0x77: {  	[hbm4b:s25+s2] =	stream.linear.scatter [tilespmem:s15], [sflag:$0x5], $0x3200, $0x38;
	[tilespmem:$0x12C00] =	vst v63  }
0x78: {  	_ =	swait.ge [sflag:s10], $0x3200  }
0x79: {  	[sflag:s10] =	ssyncset.done $0x0  }
0x7a: {  	[sflag:s10] =	ssyncadd.s32 $0xFFFFCE00  }
0x7b: {  	_ =	swait.ge [sflag:s22], $0x2000  }
0x7c: {  	[sflag:s22] =	ssyncset.done $0x0  }
0x7d: {  	[sflag:s22] =	ssyncadd.s32 $0xFFFFE000  }
0x7e: {  	p0 =	sne.s32 s30, $0x18380;
	_ =	swait.ge [sflag:s22], $0x1200  }
.Ltmp0:
0x7f: {  	s29 =	smov.u32 s30;
	[sflag:s22] =	ssyncset.done $0x0;
	(pc) =	sbr.rel @p0 .LBB2_2-.Ltmp0, $4  }
0x80: {  	s30 =	sadd.s32 $0xC80, s30;
	s28 =	sadd.s32 $0x1900, s28;
	[sflag:s22] =	ssyncadd.s32 $0xFFFFEE00  }
0x81: {  	[hbm4b:s24+s2] =	stream.linear.scatter [tilespmem:s17], [sflag:$0x5], $0x3200, $0x38;
	[tilespmem:$0x12C00] =	vst v63  }
0x82: {  	s26 =	sadd.s32 $0x1900, s26;
	s25 =	sadd.s32 $0x1900, s25;
	_ =	swait.ge [sflag:s10], $0x3200  }
0x83: {  	s24 =	sadd.s32 $0x1900, s24;
	s31 =	rddreg [dreg:$0x4];
	[sflag:s10] =	ssyncset.done $0x0  }
0x84: {  	s0 =	sshra.s32 s29, $0x2;
	[sflag:s10] =	ssyncadd.s32 $0xFFFFCE00  }
0x85: {  	[tilespmem:s12], [sflag:$0x1] =	stream.indirect.gather [hbm4b:s3+s11], $0x40, s0, s11, $0xb8;
	[tilespmem:$0x12C00] =	vst v63  }
0x86: {  	s1 =	rddreg [dreg:$0x3];
	s4 =	sadd.s32 $0x80, s0  }
0x87: {  	[tilespmem:s1], [sflag:$0x1] =	stream.indirect.gather [hbm4b:s3+s13], $0x40, s4, s13, $0xb8;
	[tilespmem:$0x12C00] =	vst v63  }
0x88: {  	s30 =	sadd.s32 $0xC8, s0  }
0x89: {  	[tilespmem:s14], [sflag:$0x2] =	stream.indirect.gather [hbm4b:s3+s11], $0x40, s30, s11, $0xb8;
	[tilespmem:$0x12C00] =	vst v63  }
0x8a: {  	s4 =	sadd.s32 $0x148, s0  }
0x8b: {  	[tilespmem:s31], [sflag:$0x2] =	stream.indirect.gather [hbm4b:s3+s13], $0x40, s4, s13, $0xb8;
	[tilespmem:$0x12C00] =	vst v63  }
0x8c: {  	s29 =	sadd.s32 $0x190, s0  }
0x8d: {  	[tilespmem:s15], [sflag:$0x3] =	stream.indirect.gather [hbm4b:s3+s11], $0x40, s29, s11, $0xb8;
	[tilespmem:$0x12C00] =	vst v63  }
0x8e: {  	s30 =	sadd.s32 $0x210, s0  }
0x8f: {  	[tilespmem:s16], [sflag:$0x3] =	stream.indirect.gather [hbm4b:s3+s13], $0x40, s30, s13, $0xb8;
	[tilespmem:$0x12C00] =	vst v63  }
0x90: {  	s31 =	sadd.s32 $0x258, s0  }
0x91: {  	[tilespmem:s17], [sflag:$0x4] =	stream.indirect.gather [hbm4b:s3+s11], $0x40, s31, s11, $0xb8;
	[tilespmem:$0x12C00] =	vst v63  }
0x92: {  	s0 =	sadd.s32 $0x2D8, s0  }
0x93: {  	[tilespmem:s18], [sflag:$0x4] =	stream.indirect.gather [hbm4b:s3+s13], $0x40, s0, s13, $0xb8;
	[tilespmem:$0x12C00] =	vst v63  }
0x94: {  	_ =	swait.ge [sflag:s19], $0x2000  }
0x95: {  	[sflag:s19] =	ssyncset.done $0x0  }
0x96: {  	[sflag:s19] =	ssyncadd.s32 $0xFFFFE000  }
0x97: {  	_ =	swait.ge [sflag:s19], $0x1200  }
0x98: {  	[sflag:s19] =	ssyncset.done $0x0  }
0x99: {  	[sflag:s19] =	ssyncadd.s32 $0xFFFFEE00  }
0x9a: {  	[hbm4b:s28+s2] =	stream.linear.scatter [tilespmem:s12], [sflag:$0x5], $0x3200, $0x38;
	[tilespmem:$0x12C00] =	vst v63  }
0x9b: {  	_ =	swait.ge [sflag:s10], $0x3200  }
0x9c: {  	[sflag:s10] =	ssyncset.done $0x0  }
0x9d: {  	[sflag:s10] =	ssyncadd.s32 $0xFFFFCE00  }
0x9e: {  	_ =	swait.ge [sflag:s20], $0x2000  }
0x9f: {  	[sflag:s20] =	ssyncset.done $0x0  }
0xa0: {  	[sflag:s20] =	ssyncadd.s32 $0xFFFFE000  }
0xa1: {  	_ =	swait.ge [sflag:s20], $0x1200  }
0xa2: {  	[sflag:s20] =	ssyncset.done $0x0  }
0xa3: {  	[sflag:s20] =	ssyncadd.s32 $0xFFFFEE00  }
0xa4: {  	[hbm4b:s26+s2] =	stream.linear.scatter [tilespmem:s14], [sflag:$0x5], $0x3200, $0x38;
	[tilespmem:$0x12C00] =	vst v63  }
0xa5: {  	_ =	swait.ge [sflag:s10], $0x3200  }
0xa6: {  	[sflag:s10] =	ssyncset.done $0x0  }
0xa7: {  	[sflag:s10] =	ssyncadd.s32 $0xFFFFCE00  }
0xa8: {  	_ =	swait.ge [sflag:s21], $0x2000  }
0xa9: {  	[sflag:s21] =	ssyncset.done $0x0  }
0xaa: {  	[sflag:s21] =	ssyncadd.s32 $0xFFFFE000  }
0xab: {  	_ =	swait.ge [sflag:s21], $0x1200  }
0xac: {  	[sflag:s21] =	ssyncset.done $0x0  }
0xad: {  	[sflag:s21] =	ssyncadd.s32 $0xFFFFEE00  }
0xae: {  	[hbm4b:s25+s2] =	stream.linear.scatter [tilespmem:s15], [sflag:$0x5], $0x3200, $0x38;
	[tilespmem:$0x12C00] =	vst v63  }
0xaf: {  	_ =	swait.ge [sflag:s10], $0x3200  }
0xb0: {  	[sflag:s10] =	ssyncset.done $0x0  }
0xb1: {  	[sflag:s10] =	ssyncadd.s32 $0xFFFFCE00  }
0xb2: {  	_ =	swait.ge [sflag:s22], $0x2000  }
0xb3: {  	[sflag:s22] =	ssyncset.done $0x0  }
0xb4: {  	[sflag:s22] =	ssyncadd.s32 $0xFFFFE000  }
0xb5: {  	s23 =	sadd.s32 $0x1, s23;
	_ =	swait.ge [sflag:s22], $0x1200  }
0xb6: {  	p0 =	sne.s32 s23, s5;
	[sflag:s22] =	ssyncset.done $0x0  }
.Ltmp1:
0xb7: {  	[sflag:s22] =	ssyncadd.s32 $0xFFFFEE00;
	(pc) =	sbr.rel @p0 .LBB2_1-.Ltmp1, $4  }
0xb8: {  	[hbm4b:s24+s2] =	stream.linear.scatter [tilespmem:s17], [sflag:$0x5], $0x3200, $0x38;
	[tilespmem:$0x12C00] =	vst v63  }
0xb9: {  	_ =	swait.ge [sflag:s10], $0x3200  }
0xba: {  	[sflag:s10] =	ssyncset.done $0x0  }
0xbb: {  	[sflag:s10] =	ssyncadd.s32 $0xFFFFCE00  }
0xbc: {  	_ =	sfence.sel $0x180000  }
0xbd: {  	[bflag:$0x0] =	sbarrier.arrive $0xFFFF  }
0xbe: {  	_ =	strace $0x90000047  }
0xbf: {  	s0 =	stileid.u32;
	[bflag:$0x2] =	sbarrier.arrive $0xFFFF  }
0xc0: {  	p0 =	sne.s32 s0, $0x0;
	s0 =	rddreg [dreg:$0x2]  }
0xc1: {  	s0 =	sadd.s32 @!p0 $0x100000, s0  }
0xc2: {  	[sflag:s0] =	ssyncadd.tile.s32 @!p0 $0x1;
	_ =	shalt  }
.Lfunc_end2:
_tile_overlayer_lowered:
.L_overlay_start_2:
0xc3: {  	(tag) =	ssettag $0x2  }
0xc4: {  	s0 =	rddreg [dreg:$0x0];
	s2 =	stileid.u32  }
0xc5: {  	s1 =	rddreg [dreg:$0x1];
	p0 =	sne.s32 s2, $0x0  }
0xc6: {  	s3 =	rddreg [dreg:$0x2];
	[bflag:$0x3] =	sbarrier.arrive $0xFFFF;
	s2 =	simm.s32 @!p0 $0x1C05  }
0xc7: {  	[timem:s3], [sflag:s2] =	dma.local @!p0 [hbm:s0], s1  }
0xc8: {  	s0 =	simm.s32 @!p0 $0x5  }
0xc9: {  	_ =	swait.ge @!p0 [sflag:s0], s1  }
0xca: {  	s1 =	ssub.s32 @!p0 $0x0, s1;
	[sflag:s0] =	ssyncset.done @!p0 $0x0  }
0xcb: {  	[sflag:s0] =	ssyncadd.s32 @!p0 s1  }
0xcc: {  	[bflag:$0x3] =	sbarrier.arrive $0xFFFF  }
0xcd: {  	_ =	shalt  }

// kernel: sparse-core-data-format-call.cloned.1.call-start
scs
called_computation_lowered:
.L_overlay_start_0:
0x0: {  	s2 =	sld [smem:$0x3FD9]  }
0x1: {  	s3 =	sld [smem:$0x3FFE];
	_ =	sdelay $0x1  }
0x2: {  	s1 =	srdreg.scid  }
0x3: {  	s0 =	sand.u32 $0x1, s1  }
0x4: {  	s18 =	sshll.u32 s0, $0xA;
	s2 =	sadd.s32 s3, s2  }
0x5: {  	s2 =	sadd.s32 s2, s18  }
0x6: {  	[smem:$0x3FC5] =	sst s2  }
0x7: {  	_ = 	snop  }
0x8: {  	s2 =	sld [smem:$0x3FD0];
	(tm) =	ssettm $0x1  }
0x9: {  	s19 =	sld [smem:$0x3FFB];
	_ =	sdelay $0x3  }
0xa: {  	_ =	strace s19  }
0xb: {  	s3 =	sld [smem:$0x3FFC];
	_ =	sdelay $0x3  }
0xc: {  	_ =	strace s3  }
0xd: {  	s3 =	sld [smem:$0x3FFD];
	_ =	sdelay $0x3  }
0xe: {  	_ =	strace s3  }
0xf: {  	_ =	strace $0x8FFFFFFF  }
0x10: {  	s20 =	sld [smem:$0x3FDB];
	_ =	sdelay $0x1  }
0x11: {  	s4 =	simm.s32 $_scs_section_size  }
0x12: {  	s5 =	simm.s32 $_size__tile_overlayer_lowered;
	s6 =	simm.s32 $_tile_overlayer_lowered  }
0x13: {  	s23 =	simm.s32 $0x1BFF;
	s22 =	sshll.u32 s6, $0x1;
	s3 =	sadd.s32 s4, s20  }
0x14: {  	s7 =	simm.s32 $0x0;
	s21 =	sshll.u32 s5, $0x1;
	s5 =	sadd.s32 s22, s3  }
0x15: {  	[timem:s7], [sflag:s23] =	dma.local [hbm:s5], s21  }
0x16: {  	_ =	swait.ge [sflag:s23], s21  }
0x17: {  	s4 =	ssub.s32 $0x0, s21;
	[sflag:s23] =	ssyncset.done $0x0  }
0x18: {  	[sflag:s23] =	ssyncadd.s32 s4;
	_ =	sdelay $0x1  }
0x19: {  	s24 =	simm.s32 $0x1B8B  }
0x1a: {  	_ =	swait.ge [sflag:s24], $0x1  }
0x1b: {  	[sflag:s24] =	ssyncset.done $0x0  }
0x1c: {  	s26 =	simm.s32 $0x1B8E;
	s25 =	sld [smem:$0x3FFE];
	[sflag:s24] =	ssyncadd.s32 $0xFFFFFFFF  }
0x1d: {  	s27 =	simm.s32 $execute0_lowered;
	[smem:$0x3FD2] =	sst s26  }
0x1e: {  	s5 =	sshll.u32 s27, $0x1;
	_ =	strace $0x80000049;
	[dreg:$0x1] =	wrdreg $0xFFFFFFFF  }
0x1f: {  	s28 =	simm.s32 $_size_execute0_lowered;
	s3 =	sadd.s32 s3, s5;
	[dreg:$0x0] =	wrdreg $0x0  }
0x20: {  	s5 =	sshll.u32 s28, $0x1;
	[dreg:$0x2] =	wrdreg s3  }
0x21: {  	[dreg:$0x3] =	wrdreg s5  }
0x22: {  	[dreg:$0x4] =	wrdreg $0xC0  }
0x23: {  	_ =	task [dreg:s7], $0x5FFFF  }
0x24: {  	[dreg:$0x1] =	wrdreg $0xFFFFFFFF  }
0x25: {  	[dreg:$0x0] =	wrdreg $0x60  }
0x26: {  	[dreg:$0x2] =	wrdreg s25  }
0x27: {  	[dreg:$0x3] =	wrdreg s2  }
0x28: {  	[dreg:$0x4] =	wrdreg $0x9  }
0x29: {  	_ =	task.clear_ibuf [dreg:s7], $0x5FFFF;
	_ =	strace $0x90000049  }
0x2a: {  	s29 =	simm.s32 $0x9;
	_ =	strace $0x8000004B  }
0x2b: {  	_ =	swait.ge [sflag:s29], $0x1  }
0x2c: {  	[sflag:s29] =	ssyncadd.s32 $0xFFFFFFFF  }
0x2d: {  	_ =	strace $0x9000004B  }
0x2e: {  	_ =	sfence  }
0x2f: {  	s30 =	sld [smem:$0x0];
	_ =	sdelay $0x2  }
0x30: {  	s31 =	sshll.u32 s1, $0xD;
	s1 =	sshrl.u32 s1, $0x2  }
0x31: {  	s3 =	sand.u32 $0x4000, s31;
	s1 =	sadd.s32 s1, s30  }
0x32: {  	s0 =	sor.u32 s3, s0;
	s1 =	sshll.u32 s1, $0x11  }
0x33: {  	s0 =	sor.u32 s1, s0  }
0x34: {  	s0 =	sadd.s32 $0x8F2B, s0  }
0x35: {  	[sflag:s0] =	ssyncadd.remote.s32 $0x1  }
0x36: {  	_ =	sfence.sel $0xFFFF  }
0x37: {  	[dreg:$0x0] =	wrdreg $0xFFFFFFFF;
	(pc) =	sbr.abs _section_cstart, $3  }
0x38: {  	[dreg:$0x1] =	wrdreg $0xFFFFFFFF  }
0x39: {  	_ =	task.clear_ibuf [dreg:s7], $0x2FFFF;
	_ =	strace $0x9FFFFFFF  }
0x3a: {  	(tm) =	ssettm $0x7FFFFFFF  }
0x3b: {  	_ =	shalt  }
tec
execute0_lowered:
.L_overlay_start_1:
0x0: {  	(tag) =	ssettag $0x1  }
0x1: {  	s0 =	srdreg.scid  }
0x2: {  	s1 =	sshll.u32 s0, $0x4  }
0x3: {  	s0 =	stileid.u32;
	s1 =	sand.u32 $0x10, s1  }
0x4: {  	s1 =	sor.u32 s0, s1  }
0x5: {  	s6 =	rddreg [dreg:$0x0];
	s4 =	simm.s32 $0x1;
	s2 =	sshll.u32 s1, $0x7  }
0x6: {  	s7 =	simm.s32 $0x2;
	s12 =	simm.s32 $0x0;
	s1 =	ssub.s32 $0x1000, s2  }
0x7: {  	s8 =	simm.s32 $0x8000;
	s13 =	simm.s32 $0x0;
	s3 =	sand.u32 $0xF80, s1  }
0x8: {  	s9 =	simm.s32 $0x0;
	s5 =	sshrl.u32 s1, $0xC;
	p0 =	sne.s32 s3, $0x0  }
.Ltmp0:
0x9: {  	s1 =	rddreg [dreg:$0x2];
	s4 =	simm.s32 @!p0 $0x0;
	(pc) =	sbr.rel .LBB1_1-.Ltmp0, $4  }
0xa: {  	s11 =	simm.s32 $0x0;
	s3 =	rddreg [dreg:$0x1];
	s5 =	sadd.s32 s4, s5  }
0xb: {  	_ =	strace $0x8000004A;
	s4 =	simm.s32 $0x1;
	s5 =	smul.u32 $0xC8, s5  }
0xc: {  	s6 =	sadd.s32 $0xC00, s6;
	s10 =	smov.u32 s2;
	[sflag:s4] =	ssyncpa.u1 $0x0  }
0xd: {  	p0 =	por $0x0, $0x0;
	[sflag:s7] =	ssyncpa.u1 $0x0;
	s7 =	sor.u32 $0x1, s5  }
.LBB1_4:
0xe: {  	s16 =	sshll.u32 s13, $0x3;
	s17 =	sand.u32 $0x78, s13  }
0xf: {  	s30 =	sand.u32 $0x7E00, s13;
	s12 =	sshll.u32 s12, $0xF;
	s16 =	sand.u32 $0xC00, s16  }
0x10: {  	[tilespmem:s15+$0x810 ss:$0x81] =	vst.msk $0xffff, v2;
	s31 =	sand.u32 $0x7, s13;
	s16 =	sor.u32 s17, s16;
	s17 =	sadd.s32 s3, s30  }
0x11: {  	[tilespmem:s15+$0x1020 ss:$0x81] =	vst.msk $0xffff, v0;
	s13 =	sshll.u32 s31, $0x12;
	s12 =	sadd.s32 s12, s17;
	s16 =	sshrl.u32 s16, $0x3  }
0x12: {  	[tilespmem:s15+$0x0 ss:$0x81] =	vst.msk $0xffff, v1;
	s13 =	sor.u32 $0x400, s13;
	s12 =	sadd.s32 s16, s12  }
0x13: {  	[hbm4b:s12+s13] =	stream.strided.scatter [tilespmem:s14], [sflag:$0x2], $0x2000, s8, s13, $0x20;
	[tilespmem:$0x8080] =	vst v63  }
.LBB1_5:
0x14: {  	s14 =	sadd.s32 $0x1, s9  }
0x15: {  	s12 =	sadd.s32 $0x1000, s10;
	s16 =	smov.u32 s10;
	p2 =	sgt.s32 s14, $0xC7  }
0x16: {  	s16 =	smov.u32 @p2 s12  }
0x17: {  	s14 =	simm.s32 @p2 $0x0;
	p2 =	sgt.s32 s16, $0xFFF  }
0x18: {  	s16 =	smov.u32 @p2 s2;
	p2 =	sne.s32 s11, s7  }
.Ltmp1:
0x19: {  	p1 =	slt.u32 s11, $0x2;
	(pc) =	sbr.rel @!p2 .LBB1_6-.Ltmp1, $4  }
0x1a: {  	s15 =	simm.s32 @!p1 $0x2  }
0x1b: {  	s13 =	smov.u32 s10;
	p0 =	por !p0, !p0;
	_ =	swait.ge @!p1 [sflag:s15], $0x2000  }
0x1c: {  	s12 =	smov.u32 s9;
	[sflag:s15] =	ssyncset.done @!p1 $0x0;
	s9 =	smov.u32 s14  }
0x1d: {  	s11 =	sadd.s32 $0x1, s11;
	[sflag:s15] =	ssyncadd.s32 @!p1 $0xFFFFE000;
	s10 =	smov.u32 s16  }
.LBB1_1:
0x1e: {  	p1 =	sge.u32 s11, s5  }
0x1f: {  	s14 =	sand.u32 @!p1 $0x1FFFFFF, s9  }
0x20: {  	s15 =	smulhi.u32 @!p1 $0x147AE15, s14;
	_ =	sdelay $0x1  }
0x21: {  	s15 =	smul.u32 @!p1 $0xC8, s15  }
0x22: {  	s16 =	sxor.u32 @!p1 $0xFFFFFFFF, s11;
	s17 =	smul.u32 @!p1 $0xC80, s10  }
0x23: {  	s31 =	sadd.s32 $0xFFFFFFFF, s11;
	s16 =	sshll.u32 @!p1 s16, $0xD;
	s14 =	ssub.s32 @!p1 s14, s15  }
0x24: {  	s15 =	sand.u32 @!p1 $0x2000, s16;
	s16 =	sadd.s32 @!p1 s6, s17;
	s14 =	sshll.u32 @!p1 s14, $0x4  }
0x25: {  	s17 =	simm.s32 @!p1 $0x6400;
	s14 =	sadd.s32 @!p1 s14, s16;
	s16 =	simm.s32 @!p1 $0x40  }
0x26: {  	[tilespmem:s15], [sflag:$0x1] =	stream.strided.gather @!p1 [hbm4b:s14+s16], $0x2000, s17, s16, $0x38;
	[tilespmem:$0x8080] =	vst v63  }
0x27: {  	p1 =	sge.u32 s31, s5  }
.Ltmp2:
0x28: {  	_ = 	snop;
	(pc) =	sbr.rel @p1 .LBB1_5-.Ltmp2, $1  }
0x29: {  	_ =	sdelay $0x3  }
0x2a: {  	s14 =	simm.s32 $0x1  }
0x2b: {  	_ =	swait.ge [sflag:s4], $0x2000;
	s14 =	simm.s32 @!p0 $0x0  }
0x2c: {  	[sflag:s4] =	ssyncset.done $0x0;
	s15 =	sshll.u32 s14, $0xD  }
0x2d: {  	[sflag:s4] =	ssyncadd.s32 $0xFFFFE000;
	s18 =	sor.u32 $0x20, s15  }
0x2e: {  	s14 =	smul.u32 $0x8100, s14;
	v3 =	vld [tilespmem:s18+$0x10]  }
0x2f: {  	s30 =	sand.u32 $0x1, s11;
	v2 =	vld [tilespmem:s18+$0xFFFFFFF0]  }
0x30: {  	s15 =	smul.u32 $0x8100, s30;
	s14 =	sshrl.u32 s14, $0x2;
	v0 =	vld [tilespmem:s18+$0x0]  }
0x31: {  	v1 =	vld [tilespmem:s18+$0xFFFFFFE0];
	s16 =	sor.u32 $0x4000, s14  }
0x32: {  	s31 =	sshrl.u32 s15, $0x2;
	s15 =	sadd.s32 $0x0, s16  }
0x33: {  	s17 =	simm.s32 $0x4;
	s18 =	sadd.s32 $0x40, s18;
	s14 =	sor.u32 $0x4000, s31;
	[tilespmem:s15+$0x1830 ss:$0x81] =	vst.msk $0xffff, v3  }
.LBB1_3:
0x34: {  	v3 =	vld [tilespmem:s18+$0x10];
	p1 =	sne.s32 s17, $0x1FC;
	[tilespmem:s15+$0x810 ss:$0x81] =	vst.msk $0xffff, v2;
	s19 =	smov.u32 s17;
	s17 =	sadd.s32 $0x4, s17  }
.Ltmp3:
0x35: {  	v2 =	vld [tilespmem:s18+$0xFFFFFFF0];
	[tilespmem:s15+$0x1020 ss:$0x81] =	vst.msk $0xffff, v0;
	(pc) =	sbr.rel @p1 .LBB1_3-.Ltmp3, $4  }
0x36: {  	v0 =	vld [tilespmem:s18+$0x0];
	[tilespmem:s15+$0x0 ss:$0x81] =	vst.msk $0xffff, v1  }
0x37: {  	s15 =	sshra.s32 s19, $0x2;
	v1 =	vld [tilespmem:s18+$0xFFFFFFE0]  }
0x38: {  	s15 =	sadd.s32 s15, s16  }
0x39: {  	s18 =	sadd.s32 $0x40, s18;
	[tilespmem:s15+$0x1830 ss:$0x81] =	vst.msk $0xffff, v3  }
.Ltmp4:
0x3a: {  	_ = 	snop;
	(pc) =	sbr.rel .LBB1_4-.Ltmp4, $1  }
0x3b: {  	_ =	sdelay $0x3  }
.LBB1_6:
0x3c: {  	_ =	sfence.sel $0x180000  }
0x3d: {  	s2 =	simm.s32 $0x1;
	[bflag:$0x0] =	sbarrier.arrive $0xFFFF  }
0x3e: {  	s31 =	simm.s32 $0x2;
	[sflag:s2] =	ssyncpa.u1 $0x1  }
0x3f: {  	[sflag:s31] =	ssyncpa.u1 $0x1  }
0x40: {  	p0 =	sne.s32 s0, $0x0;
	_ =	strace $0x9000004A  }
0x41: {  	s0 =	sadd.s32 @!p0 $0x100000, s1;
	[bflag:$0x2] =	sbarrier.arrive $0xFFFF  }
0x42: {  	[sflag:s0] =	ssyncadd.tile.s32 @!p0 $0x1;
	_ =	shalt  }
.Lfunc_end1:
_tile_overlayer_lowered:
.L_overlay_start_2:
0x43: {  	(tag) =	ssettag $0x2  }
0x44: {  	s0 =	rddreg [dreg:$0x0];
	s2 =	stileid.u32  }
0x45: {  	s1 =	rddreg [dreg:$0x1];
	p0 =	sne.s32 s2, $0x0  }
0x46: {  	s3 =	rddreg [dreg:$0x2];
	[bflag:$0x3] =	sbarrier.arrive $0xFFFF;
	s2 =	simm.s32 @!p0 $0x1C01  }
0x47: {  	[timem:s3], [sflag:s2] =	dma.local @!p0 [hbm:s0], s1  }
0x48: {  	s0 =	simm.s32 @!p0 $0x1  }
0x49: {  	_ =	swait.ge @!p0 [sflag:s0], s1  }
0x4a: {  	s1 =	ssub.s32 @!p0 $0x0, s1;
	[sflag:s0] =	ssyncset.done @!p0 $0x0  }
0x4b: {  	[sflag:s0] =	ssyncadd.s32 @!p0 s1  }
0x4c: {  	[bflag:$0x3] =	sbarrier.arrive $0xFFFF  }
0x4d: {  	_ =	shalt  }

</sc_bundles>
